<compile_context>
chip_gen: v7x
topology: tpu7x:2x2x1
jax: 0.10.2.dev20260603
libtpu: 0.0.44.dev20260713+nightly
codegen_flags: <defaults>
</compile_context>

<pallas_src>
import jax
import jax.numpy as jnp
from jax import lax
from jax.experimental import pallas as pl
from jax.experimental.pallas import tpu as pltpu
from jax.experimental.pallas import tpu_sc as plsc

Z_N = 16
BATCH = 16384
HIST = 200
B_TOTAL = BATCH * HIST

NUM_CORES = 2
NUM_SUBCORES = 16
NUM_WORKERS = NUM_CORES * NUM_SUBCORES

IDX_W = 128
CHUNK = 1280
SUB = CHUNK // IDX_W
B_PER_W = B_TOTAL // NUM_WORKERS
N_CHUNKS = B_PER_W // CHUNK
PAIRS = N_CHUNKS // 2


def _gather_kernel(x_hbm, tbl_hbm, out_mu, out_lv,
                   idx0, idx1, rows0, rows1,
                   sg0, sg1, so0, so1):
    wid = lax.axis_index("s") * NUM_CORES + lax.axis_index("c")
    base = wid * B_PER_W
    row_base = wid * (B_PER_W // IDX_W)
    last = N_CHUNKS - 1

    slots = ((idx0, rows0, sg0, so0),
             (idx1, rows1, sg1, so1))

    def fire_gathers(c, slot):
        idx, rows, sg, _ = slots[slot]
        pltpu.sync_copy(x_hbm.at[pl.ds(row_base + c * SUB, SUB)], idx)
        for j in range(SUB):
            pltpu.async_copy(tbl_hbm.at[idx.at[j]],
                             rows.at[pl.ds(j * IDX_W, IDX_W)], sg)

    def wait_gathers(slot):
        idx, rows, sg, _ = slots[slot]
        pltpu.make_async_copy(tbl_hbm.at[pl.ds(0, CHUNK)], rows, sg).wait()

    def fire_writes(c, slot):
        _, rows, _, so = slots[slot]
        start = base + c * CHUNK
        pltpu.async_copy(rows.at[:, pl.ds(0, Z_N)],
                         out_mu.at[pl.ds(start, CHUNK)], so)
        pltpu.async_copy(rows.at[:, pl.ds(Z_N, Z_N)],
                         out_lv.at[pl.ds(start, CHUNK)], so)

    def wait_writes(slot):
        _, rows, _, so = slots[slot]
        pltpu.make_async_copy(rows.at[:, pl.ds(0, Z_N)],
                              out_mu.at[pl.ds(0, CHUNK)], so).wait()
        pltpu.make_async_copy(rows.at[:, pl.ds(Z_N, Z_N)],
                              out_lv.at[pl.ds(0, CHUNK)], so).wait()

    fire_gathers(0, 0)
    fire_gathers(1, 1)

    def body(g, carry):
        c0 = 2 * g
        c1 = c0 + 1
        wait_gathers(0)
        fire_writes(c0, 0)
        wait_gathers(1)
        fire_writes(c1, 1)
        n0 = jnp.minimum(c0 + 2, last)
        n1 = jnp.minimum(c1 + 2, last)
        wait_writes(0)
        fire_gathers(n0, 0)
        wait_writes(1)
        fire_gathers(n1, 1)
        return carry

    lax.fori_loop(0, PAIRS, body, 0)
    wait_gathers(0)
    wait_gathers(1)


@jax.jit
def kernel(x, embed_mu, embed_logvar):
    x_flat = x.reshape(B_TOTAL // IDX_W, IDX_W).astype(jnp.int32)
    tbl = jnp.concatenate([embed_mu, embed_logvar], axis=1)

    mesh = plsc.VectorSubcoreMesh(core_axis_name="c", subcore_axis_name="s")
    f = pl.kernel(
        _gather_kernel,
        out_type=(
            jax.ShapeDtypeStruct((B_TOTAL, Z_N), jnp.float32),
            jax.ShapeDtypeStruct((B_TOTAL, Z_N), jnp.float32),
        ),
        mesh=mesh,
        scratch_types=[
            pltpu.VMEM((SUB, IDX_W), jnp.int32),
            pltpu.VMEM((SUB, IDX_W), jnp.int32),
            pltpu.VMEM((CHUNK, 2 * Z_N), jnp.float32),
            pltpu.VMEM((CHUNK, 2 * Z_N), jnp.float32),
            pltpu.SemaphoreType.DMA,
            pltpu.SemaphoreType.DMA,
            pltpu.SemaphoreType.DMA,
            pltpu.SemaphoreType.DMA,
        ],
        compiler_params=pltpu.CompilerParams(use_tc_tiling_on_sc=False),
    )
    mu_flat, lv_flat = f(x_flat, tbl)
    mu = mu_flat.reshape(BATCH, HIST, Z_N)
    logvar = lv_flat.reshape(BATCH, HIST, Z_N)
    return (mu, mu, logvar)

# --- scband reference (transcript-rebuilt; emitter-appended) ---
"""Pipeline reference for scband-mini-vae-7696581394693 (READ-ONLY COPY).

The authoritative reference and input builder live on the scoring server;
editing this copy changes nothing except your own understanding.
"""

import jax, jax.numpy as jnp
import numpy as np

NUM_CLUSTERS = 1000000
Z_N = 16
BATCH = 16384
HIST = 200

def setup_inputs(seed: int = 0) -> dict:
    key = jax.random.key(seed)
    k1, k2, k3 = jax.random.split(key, 3)
    x = jax.random.randint(k1, (BATCH, HIST), 0, NUM_CLUSTERS, dtype=jnp.int64 if jax.config.jax_enable_x64 else jnp.int32)
    embed_mu = jax.random.normal(k2, (NUM_CLUSTERS, Z_N), dtype=jnp.float32)
    embed_logvar = jax.random.normal(k3, (NUM_CLUSTERS, Z_N), dtype=jnp.float32)
    return {"x": x, "embed_mu": embed_mu, "embed_logvar": embed_logvar}

def reference(x, embed_mu, embed_logvar):
    # encode: embedding lookups (gather)
    mu = jnp.take(embed_mu, x, axis=0)
    logvar = jnp.take(embed_logvar, x, axis=0)
    # eval mode: z = mu (no stochastic sampling for deterministic reference)
    z = mu
    return (z, mu, logvar)

if __name__ == "__main__":
    import jax
    _d = setup_inputs()
    print(jax.jit(kernel)(*tuple(_d.values())))

</pallas_src>

<mosaic_0001>
#map = affine_map<(d0, d1) -> (0, 0)>
module attributes {stable_mosaic.version = 14 : i64} {
  func.func @_gather_kernel(%arg0: i32, %arg1: i32, %arg2: memref<25600x128xi32, #tpu.memory_space<hbm>>, %arg3: memref<1000000x32xf32, #tpu.memory_space<hbm>>, %arg4: memref<3276800x16xf32, #tpu.memory_space<hbm>>, %arg5: memref<3276800x16xf32, #tpu.memory_space<hbm>>, %arg6: memref<10x128xi32, #tpu.memory_space<vmem>>, %arg7: memref<10x128xi32, #tpu.memory_space<vmem>>, %arg8: memref<1280x32xf32, #tpu.memory_space<vmem>>, %arg9: memref<1280x32xf32, #tpu.memory_space<vmem>>, %arg10: memref<!tpu.dma_semaphore, #tpu.memory_space<semaphore_mem>>, %arg11: memref<!tpu.dma_semaphore, #tpu.memory_space<semaphore_mem>>, %arg12: memref<!tpu.dma_semaphore, #tpu.memory_space<semaphore_mem>>, %arg13: memref<!tpu.dma_semaphore, #tpu.memory_space<semaphore_mem>>) attributes {dimension_semantics = [#tpu.dimension_semantics<core_parallel>, #tpu.dimension_semantics<subcore_parallel>], iteration_bounds = array<i64: 2, 16>, scalar_prefetch = 0 : i64, scratch_operands = 8 : i64, tpu.core_type = #tpu.core_type<sc_vector_subcore>, window_params = [{transform_indices = #map}, {transform_indices = #map}, {transform_indices = #map}, {transform_indices = #map}]} {
    %mul3A = arith.constant 2 : i32
    %mul3A_0 = arith.muli %arg1, %mul3A : i32
    %add3A = arith.addi %mul3A_0, %arg0 : i32
    %mul3A_1 = arith.constant 102400 : i32
    %mul3A_2 = arith.muli %add3A, %mul3A_1 : i32
    %mul3A_3 = arith.constant 800 : i32
    %mul3A_4 = arith.muli %add3A, %mul3A_3 : i32
    %add3A_5 = arith.constant 0 : i32
    %add3A_6 = arith.addi %mul3A_4, %add3A_5 : i32
    "tpu.region"() ({
      %run_scoped3A = tpu.sem_alloc : memref<!tpu.dma_semaphore, #tpu.memory_space<semaphore_mem>>
      %dma_start3A_224 = arith.constant 0 : i32
      %dma_start3A_225 = tpu.memref_slice %arg2[%add3A_6, %dma_start3A_224] : memref<25600x128xi32, #tpu.memory_space<hbm>> -> memref<10x128xi32, #tpu.memory_space<hbm>>
      %dma_start3A_226 = arith.constant 0 : i32
      %dma_start3A_227 = tpu.memref_slice %arg2[%add3A_6, %dma_start3A_226] : memref<25600x128xi32, #tpu.memory_space<hbm>> -> memref<10x128xi32, #tpu.memory_space<hbm>>
      tpu.enqueue_dma source(%dma_start3A_227 : memref<10x128xi32, #tpu.memory_space<hbm>>) target(%arg6 : memref<10x128xi32, #tpu.memory_space<vmem>>) target_semaphore(%run_scoped3A : memref<!tpu.dma_semaphore, #tpu.memory_space<semaphore_mem>>)
      %dma_wait3A_228 = arith.constant 0 : i32
      %dma_wait3A_229 = tpu.memref_slice %arg2[%add3A_6, %dma_wait3A_228] : memref<25600x128xi32, #tpu.memory_space<hbm>> -> memref<10x128xi32, #tpu.memory_space<hbm>>
      %dma_wait3A_230 = arith.constant 0 : i32
      %dma_wait3A_231 = tpu.memref_slice %arg2[%add3A_6, %dma_wait3A_230] : memref<25600x128xi32, #tpu.memory_space<hbm>> -> memref<10x128xi32, #tpu.memory_space<hbm>>
      tpu.wait_dma2 semaphore(%run_scoped3A : memref<!tpu.dma_semaphore, #tpu.memory_space<semaphore_mem>>) src(%dma_wait3A_231 : memref<10x128xi32, #tpu.memory_space<hbm>>) dst(%arg6 : memref<10x128xi32, #tpu.memory_space<vmem>>)
      tpu.yield
    }) : () -> ()
    %dma_start3A = arith.constant 0 : i32
    %dma_start3A_7 = arith.constant 0 : i32
    %dma_start3A_8 = arith.constant 0 : i32
    %dma_start3A_9 = tpu.memref_slice %arg8[%dma_start3A_7, %dma_start3A_8] : memref<1280x32xf32, #tpu.memory_space<vmem>> -> memref<128x32xf32, #tpu.memory_space<vmem>>
    %dma_start3A_10 = arith.constant 0 : i32
    %dma_start3A_11 = tpu.memref_slice %arg6[%dma_start3A, %dma_start3A_10] : memref<10x128xi32, #tpu.memory_space<vmem>> -> memref<1x128xi32, #tpu.memory_space<vmem>>
    %dma_start3A_12 = tpu.memref_squeeze %dma_start3A_11 : memref<1x128xi32, #tpu.memory_space<vmem>> -> memref<128xi32, #tpu.memory_space<vmem>>
    %dma_start3A_13 = arith.constant 0 : i32
    %dma_start3A_14 = arith.constant 0 : i32
    %dma_start3A_15 = tpu.memref_slice %arg3[%dma_start3A_13, %dma_start3A_14] : memref<1000000x32xf32, #tpu.memory_space<hbm>> -> memref<1000000x32xf32, #tpu.memory_space<hbm>>
    tpu.enqueue_indirect_dma source(%dma_start3A_15 : memref<1000000x32xf32, #tpu.memory_space<hbm>>) target(%dma_start3A_9 : memref<128x32xf32, #tpu.memory_space<vmem>>) offsets(%dma_start3A_12 : memref<128xi32, #tpu.memory_space<vmem>>) semaphore(%arg10 : memref<!tpu.dma_semaphore, #tpu.memory_space<semaphore_mem>>)
    %dma_start3A_16 = arith.constant 1 : i32
    %dma_start3A_17 = arith.constant 128 : i32
    %dma_start3A_18 = arith.constant 0 : i32
    %dma_start3A_19 = tpu.memref_slice %arg8[%dma_start3A_17, %dma_start3A_18] : memref<1280x32xf32, #tpu.memory_space<vmem>> -> memref<128x32xf32, #tpu.memory_space<vmem>>
    %dma_start3A_20 = arith.constant 0 : i32
    %dma_start3A_21 = tpu.memref_slice %arg6[%dma_start3A_16, %dma_start3A_20] : memref<10x128xi32, #tpu.memory_space<vmem>> -> memref<1x128xi32, #tpu.memory_space<vmem>>
    %dma_start3A_22 = tpu.memref_squeeze %dma_start3A_21 : memref<1x128xi32, #tpu.memory_space<vmem>> -> memref<128xi32, #tpu.memory_space<vmem>>
    %dma_start3A_23 = arith.constant 0 : i32
    %dma_start3A_24 = arith.constant 0 : i32
    %dma_start3A_25 = tpu.memref_slice %arg3[%dma_start3A_23, %dma_start3A_24] : memref<1000000x32xf32, #tpu.memory_space<hbm>> -> memref<1000000x32xf32, #tpu.memory_space<hbm>>
    tpu.enqueue_indirect_dma source(%dma_start3A_25 : memref<1000000x32xf32, #tpu.memory_space<hbm>>) target(%dma_start3A_19 : memref<128x32xf32, #tpu.memory_space<vmem>>) offsets(%dma_start3A_22 : memref<128xi32, #tpu.memory_space<vmem>>) semaphore(%arg10 : memref<!tpu.dma_semaphore, #tpu.memory_space<semaphore_mem>>)
    %dma_start3A_26 = arith.constant 2 : i32
    %dma_start3A_27 = arith.constant 256 : i32
    %dma_start3A_28 = arith.constant 0 : i32
    %dma_start3A_29 = tpu.memref_slice %arg8[%dma_start3A_27, %dma_start3A_28] : memref<1280x32xf32, #tpu.memory_space<vmem>> -> memref<128x32xf32, #tpu.memory_space<vmem>>
    %dma_start3A_30 = arith.constant 0 : i32
    %dma_start3A_31 = tpu.memref_slice %arg6[%dma_start3A_26, %dma_start3A_30] : memref<10x128xi32, #tpu.memory_space<vmem>> -> memref<1x128xi32, #tpu.memory_space<vmem>>
    %dma_start3A_32 = tpu.memref_squeeze %dma_start3A_31 : memref<1x128xi32, #tpu.memory_space<vmem>> -> memref<128xi32, #tpu.memory_space<vmem>>
    %dma_start3A_33 = arith.constant 0 : i32
    %dma_start3A_34 = arith.constant 0 : i32
    %dma_start3A_35 = tpu.memref_slice %arg3[%dma_start3A_33, %dma_start3A_34] : memref<1000000x32xf32, #tpu.memory_space<hbm>> -> memref<1000000x32xf32, #tpu.memory_space<hbm>>
    tpu.enqueue_indirect_dma source(%dma_start3A_35 : memref<1000000x32xf32, #tpu.memory_space<hbm>>) target(%dma_start3A_29 : memref<128x32xf32, #tpu.memory_space<vmem>>) offsets(%dma_start3A_32 : memref<128xi32, #tpu.memory_space<vmem>>) semaphore(%arg10 : memref<!tpu.dma_semaphore, #tpu.memory_space<semaphore_mem>>)
    %dma_start3A_36 = arith.constant 3 : i32
    %dma_start3A_37 = arith.constant 384 : i32
    %dma_start3A_38 = arith.constant 0 : i32
    %dma_start3A_39 = tpu.memref_slice %arg8[%dma_start3A_37, %dma_start3A_38] : memref<1280x32xf32, #tpu.memory_space<vmem>> -> memref<128x32xf32, #tpu.memory_space<vmem>>
    %dma_start3A_40 = arith.constant 0 : i32
    %dma_start3A_41 = tpu.memref_slice %arg6[%dma_start3A_36, %dma_start3A_40] : memref<10x128xi32, #tpu.memory_space<vmem>> -> memref<1x128xi32, #tpu.memory_space<vmem>>
    %dma_start3A_42 = tpu.memref_squeeze %dma_start3A_41 : memref<1x128xi32, #tpu.memory_space<vmem>> -> memref<128xi32, #tpu.memory_space<vmem>>
    %dma_start3A_43 = arith.constant 0 : i32
    %dma_start3A_44 = arith.constant 0 : i32
    %dma_start3A_45 = tpu.memref_slice %arg3[%dma_start3A_43, %dma_start3A_44] : memref<1000000x32xf32, #tpu.memory_space<hbm>> -> memref<1000000x32xf32, #tpu.memory_space<hbm>>
    tpu.enqueue_indirect_dma source(%dma_start3A_45 : memref<1000000x32xf32, #tpu.memory_space<hbm>>) target(%dma_start3A_39 : memref<128x32xf32, #tpu.memory_space<vmem>>) offsets(%dma_start3A_42 : memref<128xi32, #tpu.memory_space<vmem>>) semaphore(%arg10 : memref<!tpu.dma_semaphore, #tpu.memory_space<semaphore_mem>>)
    %dma_start3A_46 = arith.constant 4 : i32
    %dma_start3A_47 = arith.constant 512 : i32
    %dma_start3A_48 = arith.constant 0 : i32
    %dma_start3A_49 = tpu.memref_slice %arg8[%dma_start3A_47, %dma_start3A_48] : memref<1280x32xf32, #tpu.memory_space<vmem>> -> memref<128x32xf32, #tpu.memory_space<vmem>>
    %dma_start3A_50 = arith.constant 0 : i32
    %dma_start3A_51 = tpu.memref_slice %arg6[%dma_start3A_46, %dma_start3A_50] : memref<10x128xi32, #tpu.memory_space<vmem>> -> memref<1x128xi32, #tpu.memory_space<vmem>>
    %dma_start3A_52 = tpu.memref_squeeze %dma_start3A_51 : memref<1x128xi32, #tpu.memory_space<vmem>> -> memref<128xi32, #tpu.memory_space<vmem>>
    %dma_start3A_53 = arith.constant 0 : i32
    %dma_start3A_54 = arith.constant 0 : i32
    %dma_start3A_55 = tpu.memref_slice %arg3[%dma_start3A_53, %dma_start3A_54] : memref<1000000x32xf32, #tpu.memory_space<hbm>> -> memref<1000000x32xf32, #tpu.memory_space<hbm>>
    tpu.enqueue_indirect_dma source(%dma_start3A_55 : memref<1000000x32xf32, #tpu.memory_space<hbm>>) target(%dma_start3A_49 : memref<128x32xf32, #tpu.memory_space<vmem>>) offsets(%dma_start3A_52 : memref<128xi32, #tpu.memory_space<vmem>>) semaphore(%arg10 : memref<!tpu.dma_semaphore, #tpu.memory_space<semaphore_mem>>)
    %dma_start3A_56 = arith.constant 5 : i32
    %dma_start3A_57 = arith.constant 640 : i32
    %dma_start3A_58 = arith.constant 0 : i32
    %dma_start3A_59 = tpu.memref_slice %arg8[%dma_start3A_57, %dma_start3A_58] : memref<1280x32xf32, #tpu.memory_space<vmem>> -> memref<128x32xf32, #tpu.memory_space<vmem>>
    %dma_start3A_60 = arith.constant 0 : i32
    %dma_start3A_61 = tpu.memref_slice %arg6[%dma_start3A_56, %dma_start3A_60] : memref<10x128xi32, #tpu.memory_space<vmem>> -> memref<1x128xi32, #tpu.memory_space<vmem>>
    %dma_start3A_62 = tpu.memref_squeeze %dma_start3A_61 : memref<1x128xi32, #tpu.memory_space<vmem>> -> memref<128xi32, #tpu.memory_space<vmem>>
    %dma_start3A_63 = arith.constant 0 : i32
    %dma_start3A_64 = arith.constant 0 : i32
    %dma_start3A_65 = tpu.memref_slice %arg3[%dma_start3A_63, %dma_start3A_64] : memref<1000000x32xf32, #tpu.memory_space<hbm>> -> memref<1000000x32xf32, #tpu.memory_space<hbm>>
    tpu.enqueue_indirect_dma source(%dma_start3A_65 : memref<1000000x32xf32, #tpu.memory_space<hbm>>) target(%dma_start3A_59 : memref<128x32xf32, #tpu.memory_space<vmem>>) offsets(%dma_start3A_62 : memref<128xi32, #tpu.memory_space<vmem>>) semaphore(%arg10 : memref<!tpu.dma_semaphore, #tpu.memory_space<semaphore_mem>>)
    %dma_start3A_66 = arith.constant 6 : i32
    %dma_start3A_67 = arith.constant 768 : i32
    %dma_start3A_68 = arith.constant 0 : i32
    %dma_start3A_69 = tpu.memref_slice %arg8[%dma_start3A_67, %dma_start3A_68] : memref<1280x32xf32, #tpu.memory_space<vmem>> -> memref<128x32xf32, #tpu.memory_space<vmem>>
    %dma_start3A_70 = arith.constant 0 : i32
    %dma_start3A_71 = tpu.memref_slice %arg6[%dma_start3A_66, %dma_start3A_70] : memref<10x128xi32, #tpu.memory_space<vmem>> -> memref<1x128xi32, #tpu.memory_space<vmem>>
    %dma_start3A_72 = tpu.memref_squeeze %dma_start3A_71 : memref<1x128xi32, #tpu.memory_space<vmem>> -> memref<128xi32, #tpu.memory_space<vmem>>
    %dma_start3A_73 = arith.constant 0 : i32
    %dma_start3A_74 = arith.constant 0 : i32
    %dma_start3A_75 = tpu.memref_slice %arg3[%dma_start3A_73, %dma_start3A_74] : memref<1000000x32xf32, #tpu.memory_space<hbm>> -> memref<1000000x32xf32, #tpu.memory_space<hbm>>
    tpu.enqueue_indirect_dma source(%dma_start3A_75 : memref<1000000x32xf32, #tpu.memory_space<hbm>>) target(%dma_start3A_69 : memref<128x32xf32, #tpu.memory_space<vmem>>) offsets(%dma_start3A_72 : memref<128xi32, #tpu.memory_space<vmem>>) semaphore(%arg10 : memref<!tpu.dma_semaphore, #tpu.memory_space<semaphore_mem>>)
    %dma_start3A_76 = arith.constant 7 : i32
    %dma_start3A_77 = arith.constant 896 : i32
    %dma_start3A_78 = arith.constant 0 : i32
    %dma_start3A_79 = tpu.memref_slice %arg8[%dma_start3A_77, %dma_start3A_78] : memref<1280x32xf32, #tpu.memory_space<vmem>> -> memref<128x32xf32, #tpu.memory_space<vmem>>
    %dma_start3A_80 = arith.constant 0 : i32
    %dma_start3A_81 = tpu.memref_slice %arg6[%dma_start3A_76, %dma_start3A_80] : memref<10x128xi32, #tpu.memory_space<vmem>> -> memref<1x128xi32, #tpu.memory_space<vmem>>
    %dma_start3A_82 = tpu.memref_squeeze %dma_start3A_81 : memref<1x128xi32, #tpu.memory_space<vmem>> -> memref<128xi32, #tpu.memory_space<vmem>>
    %dma_start3A_83 = arith.constant 0 : i32
    %dma_start3A_84 = arith.constant 0 : i32
    %dma_start3A_85 = tpu.memref_slice %arg3[%dma_start3A_83, %dma_start3A_84] : memref<1000000x32xf32, #tpu.memory_space<hbm>> -> memref<1000000x32xf32, #tpu.memory_space<hbm>>
    tpu.enqueue_indirect_dma source(%dma_start3A_85 : memref<1000000x32xf32, #tpu.memory_space<hbm>>) target(%dma_start3A_79 : memref<128x32xf32, #tpu.memory_space<vmem>>) offsets(%dma_start3A_82 : memref<128xi32, #tpu.memory_space<vmem>>) semaphore(%arg10 : memref<!tpu.dma_semaphore, #tpu.memory_space<semaphore_mem>>)
    %dma_start3A_86 = arith.constant 8 : i32
    %dma_start3A_87 = arith.constant 1024 : i32
    %dma_start3A_88 = arith.constant 0 : i32
    %dma_start3A_89 = tpu.memref_slice %arg8[%dma_start3A_87, %dma_start3A_88] : memref<1280x32xf32, #tpu.memory_space<vmem>> -> memref<128x32xf32, #tpu.memory_space<vmem>>
    %dma_start3A_90 = arith.constant 0 : i32
    %dma_start3A_91 = tpu.memref_slice %arg6[%dma_start3A_86, %dma_start3A_90] : memref<10x128xi32, #tpu.memory_space<vmem>> -> memref<1x128xi32, #tpu.memory_space<vmem>>
    %dma_start3A_92 = tpu.memref_squeeze %dma_start3A_91 : memref<1x128xi32, #tpu.memory_space<vmem>> -> memref<128xi32, #tpu.memory_space<vmem>>
    %dma_start3A_93 = arith.constant 0 : i32
    %dma_start3A_94 = arith.constant 0 : i32
    %dma_start3A_95 = tpu.memref_slice %arg3[%dma_start3A_93, %dma_start3A_94] : memref<1000000x32xf32, #tpu.memory_space<hbm>> -> memref<1000000x32xf32, #tpu.memory_space<hbm>>
    tpu.enqueue_indirect_dma source(%dma_start3A_95 : memref<1000000x32xf32, #tpu.memory_space<hbm>>) target(%dma_start3A_89 : memref<128x32xf32, #tpu.memory_space<vmem>>) offsets(%dma_start3A_92 : memref<128xi32, #tpu.memory_space<vmem>>) semaphore(%arg10 : memref<!tpu.dma_semaphore, #tpu.memory_space<semaphore_mem>>)
    %dma_start3A_96 = arith.constant 9 : i32
    %dma_start3A_97 = arith.constant 1152 : i32
    %dma_start3A_98 = arith.constant 0 : i32
    %dma_start3A_99 = tpu.memref_slice %arg8[%dma_start3A_97, %dma_start3A_98] : memref<1280x32xf32, #tpu.memory_space<vmem>> -> memref<128x32xf32, #tpu.memory_space<vmem>>
    %dma_start3A_100 = arith.constant 0 : i32
    %dma_start3A_101 = tpu.memref_slice %arg6[%dma_start3A_96, %dma_start3A_100] : memref<10x128xi32, #tpu.memory_space<vmem>> -> memref<1x128xi32, #tpu.memory_space<vmem>>
    %dma_start3A_102 = tpu.memref_squeeze %dma_start3A_101 : memref<1x128xi32, #tpu.memory_space<vmem>> -> memref<128xi32, #tpu.memory_space<vmem>>
    %dma_start3A_103 = arith.constant 0 : i32
    %dma_start3A_104 = arith.constant 0 : i32
    %dma_start3A_105 = tpu.memref_slice %arg3[%dma_start3A_103, %dma_start3A_104] : memref<1000000x32xf32, #tpu.memory_space<hbm>> -> memref<1000000x32xf32, #tpu.memory_space<hbm>>
    tpu.enqueue_indirect_dma source(%dma_start3A_105 : memref<1000000x32xf32, #tpu.memory_space<hbm>>) target(%dma_start3A_99 : memref<128x32xf32, #tpu.memory_space<vmem>>) offsets(%dma_start3A_102 : memref<128xi32, #tpu.memory_space<vmem>>) semaphore(%arg10 : memref<!tpu.dma_semaphore, #tpu.memory_space<semaphore_mem>>)
    %add3A_106 = arith.constant 10 : i32
    %add3A_107 = arith.addi %mul3A_4, %add3A_106 : i32
    "tpu.region"() ({
      %run_scoped3A = tpu.sem_alloc : memref<!tpu.dma_semaphore, #tpu.memory_space<semaphore_mem>>
      %dma_start3A_224 = arith.constant 0 : i32
      %dma_start3A_225 = tpu.memref_slice %arg2[%add3A_107, %dma_start3A_224] : memref<25600x128xi32, #tpu.memory_space<hbm>> -> memref<10x128xi32, #tpu.memory_space<hbm>>
      %dma_start3A_226 = arith.constant 0 : i32
      %dma_start3A_227 = tpu.memref_slice %arg2[%add3A_107, %dma_start3A_226] : memref<25600x128xi32, #tpu.memory_space<hbm>> -> memref<10x128xi32, #tpu.memory_space<hbm>>
      tpu.enqueue_dma source(%dma_start3A_227 : memref<10x128xi32, #tpu.memory_space<hbm>>) target(%arg7 : memref<10x128xi32, #tpu.memory_space<vmem>>) target_semaphore(%run_scoped3A : memref<!tpu.dma_semaphore, #tpu.memory_space<semaphore_mem>>)
      %dma_wait3A_228 = arith.constant 0 : i32
      %dma_wait3A_229 = tpu.memref_slice %arg2[%add3A_107, %dma_wait3A_228] : memref<25600x128xi32, #tpu.memory_space<hbm>> -> memref<10x128xi32, #tpu.memory_space<hbm>>
      %dma_wait3A_230 = arith.constant 0 : i32
      %dma_wait3A_231 = tpu.memref_slice %arg2[%add3A_107, %dma_wait3A_230] : memref<25600x128xi32, #tpu.memory_space<hbm>> -> memref<10x128xi32, #tpu.memory_space<hbm>>
      tpu.wait_dma2 semaphore(%run_scoped3A : memref<!tpu.dma_semaphore, #tpu.memory_space<semaphore_mem>>) src(%dma_wait3A_231 : memref<10x128xi32, #tpu.memory_space<hbm>>) dst(%arg7 : memref<10x128xi32, #tpu.memory_space<vmem>>)
      tpu.yield
    }) : () -> ()
    %dma_start3A_108 = arith.constant 0 : i32
    %dma_start3A_109 = arith.constant 0 : i32
    %dma_start3A_110 = arith.constant 0 : i32
    %dma_start3A_111 = tpu.memref_slice %arg9[%dma_start3A_109, %dma_start3A_110] : memref<1280x32xf32, #tpu.memory_space<vmem>> -> memref<128x32xf32, #tpu.memory_space<vmem>>
    %dma_start3A_112 = arith.constant 0 : i32
    %dma_start3A_113 = tpu.memref_slice %arg7[%dma_start3A_108, %dma_start3A_112] : memref<10x128xi32, #tpu.memory_space<vmem>> -> memref<1x128xi32, #tpu.memory_space<vmem>>
    %dma_start3A_114 = tpu.memref_squeeze %dma_start3A_113 : memref<1x128xi32, #tpu.memory_space<vmem>> -> memref<128xi32, #tpu.memory_space<vmem>>
    %dma_start3A_115 = arith.constant 0 : i32
    %dma_start3A_116 = arith.constant 0 : i32
    %dma_start3A_117 = tpu.memref_slice %arg3[%dma_start3A_115, %dma_start3A_116] : memref<1000000x32xf32, #tpu.memory_space<hbm>> -> memref<1000000x32xf32, #tpu.memory_space<hbm>>
    tpu.enqueue_indirect_dma source(%dma_start3A_117 : memref<1000000x32xf32, #tpu.memory_space<hbm>>) target(%dma_start3A_111 : memref<128x32xf32, #tpu.memory_space<vmem>>) offsets(%dma_start3A_114 : memref<128xi32, #tpu.memory_space<vmem>>) semaphore(%arg11 : memref<!tpu.dma_semaphore, #tpu.memory_space<semaphore_mem>>)
    %dma_start3A_118 = arith.constant 1 : i32
    %dma_start3A_119 = arith.constant 128 : i32
    %dma_start3A_120 = arith.constant 0 : i32
    %dma_start3A_121 = tpu.memref_slice %arg9[%dma_start3A_119, %dma_start3A_120] : memref<1280x32xf32, #tpu.memory_space<vmem>> -> memref<128x32xf32, #tpu.memory_space<vmem>>
    %dma_start3A_122 = arith.constant 0 : i32
    %dma_start3A_123 = tpu.memref_slice %arg7[%dma_start3A_118, %dma_start3A_122] : memref<10x128xi32, #tpu.memory_space<vmem>> -> memref<1x128xi32, #tpu.memory_space<vmem>>
    %dma_start3A_124 = tpu.memref_squeeze %dma_start3A_123 : memref<1x128xi32, #tpu.memory_space<vmem>> -> memref<128xi32, #tpu.memory_space<vmem>>
    %dma_start3A_125 = arith.constant 0 : i32
    %dma_start3A_126 = arith.constant 0 : i32
    %dma_start3A_127 = tpu.memref_slice %arg3[%dma_start3A_125, %dma_start3A_126] : memref<1000000x32xf32, #tpu.memory_space<hbm>> -> memref<1000000x32xf32, #tpu.memory_space<hbm>>
    tpu.enqueue_indirect_dma source(%dma_start3A_127 : memref<1000000x32xf32, #tpu.memory_space<hbm>>) target(%dma_start3A_121 : memref<128x32xf32, #tpu.memory_space<vmem>>) offsets(%dma_start3A_124 : memref<128xi32, #tpu.memory_space<vmem>>) semaphore(%arg11 : memref<!tpu.dma_semaphore, #tpu.memory_space<semaphore_mem>>)
    %dma_start3A_128 = arith.constant 2 : i32
    %dma_start3A_129 = arith.constant 256 : i32
    %dma_start3A_130 = arith.constant 0 : i32
    %dma_start3A_131 = tpu.memref_slice %arg9[%dma_start3A_129, %dma_start3A_130] : memref<1280x32xf32, #tpu.memory_space<vmem>> -> memref<128x32xf32, #tpu.memory_space<vmem>>
    %dma_start3A_132 = arith.constant 0 : i32
    %dma_start3A_133 = tpu.memref_slice %arg7[%dma_start3A_128, %dma_start3A_132] : memref<10x128xi32, #tpu.memory_space<vmem>> -> memref<1x128xi32, #tpu.memory_space<vmem>>
    %dma_start3A_134 = tpu.memref_squeeze %dma_start3A_133 : memref<1x128xi32, #tpu.memory_space<vmem>> -> memref<128xi32, #tpu.memory_space<vmem>>
    %dma_start3A_135 = arith.constant 0 : i32
    %dma_start3A_136 = arith.constant 0 : i32
    %dma_start3A_137 = tpu.memref_slice %arg3[%dma_start3A_135, %dma_start3A_136] : memref<1000000x32xf32, #tpu.memory_space<hbm>> -> memref<1000000x32xf32, #tpu.memory_space<hbm>>
    tpu.enqueue_indirect_dma source(%dma_start3A_137 : memref<1000000x32xf32, #tpu.memory_space<hbm>>) target(%dma_start3A_131 : memref<128x32xf32, #tpu.memory_space<vmem>>) offsets(%dma_start3A_134 : memref<128xi32, #tpu.memory_space<vmem>>) semaphore(%arg11 : memref<!tpu.dma_semaphore, #tpu.memory_space<semaphore_mem>>)
    %dma_start3A_138 = arith.constant 3 : i32
    %dma_start3A_139 = arith.constant 384 : i32
    %dma_start3A_140 = arith.constant 0 : i32
    %dma_start3A_141 = tpu.memref_slice %arg9[%dma_start3A_139, %dma_start3A_140] : memref<1280x32xf32, #tpu.memory_space<vmem>> -> memref<128x32xf32, #tpu.memory_space<vmem>>
    %dma_start3A_142 = arith.constant 0 : i32
    %dma_start3A_143 = tpu.memref_slice %arg7[%dma_start3A_138, %dma_start3A_142] : memref<10x128xi32, #tpu.memory_space<vmem>> -> memref<1x128xi32, #tpu.memory_space<vmem>>
    %dma_start3A_144 = tpu.memref_squeeze %dma_start3A_143 : memref<1x128xi32, #tpu.memory_space<vmem>> -> memref<128xi32, #tpu.memory_space<vmem>>
    %dma_start3A_145 = arith.constant 0 : i32
    %dma_start3A_146 = arith.constant 0 : i32
    %dma_start3A_147 = tpu.memref_slice %arg3[%dma_start3A_145, %dma_start3A_146] : memref<1000000x32xf32, #tpu.memory_space<hbm>> -> memref<1000000x32xf32, #tpu.memory_space<hbm>>
    tpu.enqueue_indirect_dma source(%dma_start3A_147 : memref<1000000x32xf32, #tpu.memory_space<hbm>>) target(%dma_start3A_141 : memref<128x32xf32, #tpu.memory_space<vmem>>) offsets(%dma_start3A_144 : memref<128xi32, #tpu.memory_space<vmem>>) semaphore(%arg11 : memref<!tpu.dma_semaphore, #tpu.memory_space<semaphore_mem>>)
    %dma_start3A_148 = arith.constant 4 : i32
    %dma_start3A_149 = arith.constant 512 : i32
    %dma_start3A_150 = arith.constant 0 : i32
    %dma_start3A_151 = tpu.memref_slice %arg9[%dma_start3A_149, %dma_start3A_150] : memref<1280x32xf32, #tpu.memory_space<vmem>> -> memref<128x32xf32, #tpu.memory_space<vmem>>
    %dma_start3A_152 = arith.constant 0 : i32
    %dma_start3A_153 = tpu.memref_slice %arg7[%dma_start3A_148, %dma_start3A_152] : memref<10x128xi32, #tpu.memory_space<vmem>> -> memref<1x128xi32, #tpu.memory_space<vmem>>
    %dma_start3A_154 = tpu.memref_squeeze %dma_start3A_153 : memref<1x128xi32, #tpu.memory_space<vmem>> -> memref<128xi32, #tpu.memory_space<vmem>>
    %dma_start3A_155 = arith.constant 0 : i32
    %dma_start3A_156 = arith.constant 0 : i32
    %dma_start3A_157 = tpu.memref_slice %arg3[%dma_start3A_155, %dma_start3A_156] : memref<1000000x32xf32, #tpu.memory_space<hbm>> -> memref<1000000x32xf32, #tpu.memory_space<hbm>>
    tpu.enqueue_indirect_dma source(%dma_start3A_157 : memref<1000000x32xf32, #tpu.memory_space<hbm>>) target(%dma_start3A_151 : memref<128x32xf32, #tpu.memory_space<vmem>>) offsets(%dma_start3A_154 : memref<128xi32, #tpu.memory_space<vmem>>) semaphore(%arg11 : memref<!tpu.dma_semaphore, #tpu.memory_space<semaphore_mem>>)
    %dma_start3A_158 = arith.constant 5 : i32
    %dma_start3A_159 = arith.constant 640 : i32
    %dma_start3A_160 = arith.constant 0 : i32
    %dma_start3A_161 = tpu.memref_slice %arg9[%dma_start3A_159, %dma_start3A_160] : memref<1280x32xf32, #tpu.memory_space<vmem>> -> memref<128x32xf32, #tpu.memory_space<vmem>>
    %dma_start3A_162 = arith.constant 0 : i32
    %dma_start3A_163 = tpu.memref_slice %arg7[%dma_start3A_158, %dma_start3A_162] : memref<10x128xi32, #tpu.memory_space<vmem>> -> memref<1x128xi32, #tpu.memory_space<vmem>>
    %dma_start3A_164 = tpu.memref_squeeze %dma_start3A_163 : memref<1x128xi32, #tpu.memory_space<vmem>> -> memref<128xi32, #tpu.memory_space<vmem>>
    %dma_start3A_165 = arith.constant 0 : i32
    %dma_start3A_166 = arith.constant 0 : i32
    %dma_start3A_167 = tpu.memref_slice %arg3[%dma_start3A_165, %dma_start3A_166] : memref<1000000x32xf32, #tpu.memory_space<hbm>> -> memref<1000000x32xf32, #tpu.memory_space<hbm>>
    tpu.enqueue_indirect_dma source(%dma_start3A_167 : memref<1000000x32xf32, #tpu.memory_space<hbm>>) target(%dma_start3A_161 : memref<128x32xf32, #tpu.memory_space<vmem>>) offsets(%dma_start3A_164 : memref<128xi32, #tpu.memory_space<vmem>>) semaphore(%arg11 : memref<!tpu.dma_semaphore, #tpu.memory_space<semaphore_mem>>)
    %dma_start3A_168 = arith.constant 6 : i32
    %dma_start3A_169 = arith.constant 768 : i32
    %dma_start3A_170 = arith.constant 0 : i32
    %dma_start3A_171 = tpu.memref_slice %arg9[%dma_start3A_169, %dma_start3A_170] : memref<1280x32xf32, #tpu.memory_space<vmem>> -> memref<128x32xf32, #tpu.memory_space<vmem>>
    %dma_start3A_172 = arith.constant 0 : i32
    %dma_start3A_173 = tpu.memref_slice %arg7[%dma_start3A_168, %dma_start3A_172] : memref<10x128xi32, #tpu.memory_space<vmem>> -> memref<1x128xi32, #tpu.memory_space<vmem>>
    %dma_start3A_174 = tpu.memref_squeeze %dma_start3A_173 : memref<1x128xi32, #tpu.memory_space<vmem>> -> memref<128xi32, #tpu.memory_space<vmem>>
    %dma_start3A_175 = arith.constant 0 : i32
    %dma_start3A_176 = arith.constant 0 : i32
    %dma_start3A_177 = tpu.memref_slice %arg3[%dma_start3A_175, %dma_start3A_176] : memref<1000000x32xf32, #tpu.memory_space<hbm>> -> memref<1000000x32xf32, #tpu.memory_space<hbm>>
    tpu.enqueue_indirect_dma source(%dma_start3A_177 : memref<1000000x32xf32, #tpu.memory_space<hbm>>) target(%dma_start3A_171 : memref<128x32xf32, #tpu.memory_space<vmem>>) offsets(%dma_start3A_174 : memref<128xi32, #tpu.memory_space<vmem>>) semaphore(%arg11 : memref<!tpu.dma_semaphore, #tpu.memory_space<semaphore_mem>>)
    %dma_start3A_178 = arith.constant 7 : i32
    %dma_start3A_179 = arith.constant 896 : i32
    %dma_start3A_180 = arith.constant 0 : i32
    %dma_start3A_181 = tpu.memref_slice %arg9[%dma_start3A_179, %dma_start3A_180] : memref<1280x32xf32, #tpu.memory_space<vmem>> -> memref<128x32xf32, #tpu.memory_space<vmem>>
    %dma_start3A_182 = arith.constant 0 : i32
    %dma_start3A_183 = tpu.memref_slice %arg7[%dma_start3A_178, %dma_start3A_182] : memref<10x128xi32, #tpu.memory_space<vmem>> -> memref<1x128xi32, #tpu.memory_space<vmem>>
    %dma_start3A_184 = tpu.memref_squeeze %dma_start3A_183 : memref<1x128xi32, #tpu.memory_space<vmem>> -> memref<128xi32, #tpu.memory_space<vmem>>
    %dma_start3A_185 = arith.constant 0 : i32
    %dma_start3A_186 = arith.constant 0 : i32
    %dma_start3A_187 = tpu.memref_slice %arg3[%dma_start3A_185, %dma_start3A_186] : memref<1000000x32xf32, #tpu.memory_space<hbm>> -> memref<1000000x32xf32, #tpu.memory_space<hbm>>
    tpu.enqueue_indirect_dma source(%dma_start3A_187 : memref<1000000x32xf32, #tpu.memory_space<hbm>>) target(%dma_start3A_181 : memref<128x32xf32, #tpu.memory_space<vmem>>) offsets(%dma_start3A_184 : memref<128xi32, #tpu.memory_space<vmem>>) semaphore(%arg11 : memref<!tpu.dma_semaphore, #tpu.memory_space<semaphore_mem>>)
    %dma_start3A_188 = arith.constant 8 : i32
    %dma_start3A_189 = arith.constant 1024 : i32
    %dma_start3A_190 = arith.constant 0 : i32
    %dma_start3A_191 = tpu.memref_slice %arg9[%dma_start3A_189, %dma_start3A_190] : memref<1280x32xf32, #tpu.memory_space<vmem>> -> memref<128x32xf32, #tpu.memory_space<vmem>>
    %dma_start3A_192 = arith.constant 0 : i32
    %dma_start3A_193 = tpu.memref_slice %arg7[%dma_start3A_188, %dma_start3A_192] : memref<10x128xi32, #tpu.memory_space<vmem>> -> memref<1x128xi32, #tpu.memory_space<vmem>>
    %dma_start3A_194 = tpu.memref_squeeze %dma_start3A_193 : memref<1x128xi32, #tpu.memory_space<vmem>> -> memref<128xi32, #tpu.memory_space<vmem>>
    %dma_start3A_195 = arith.constant 0 : i32
    %dma_start3A_196 = arith.constant 0 : i32
    %dma_start3A_197 = tpu.memref_slice %arg3[%dma_start3A_195, %dma_start3A_196] : memref<1000000x32xf32, #tpu.memory_space<hbm>> -> memref<1000000x32xf32, #tpu.memory_space<hbm>>
    tpu.enqueue_indirect_dma source(%dma_start3A_197 : memref<1000000x32xf32, #tpu.memory_space<hbm>>) target(%dma_start3A_191 : memref<128x32xf32, #tpu.memory_space<vmem>>) offsets(%dma_start3A_194 : memref<128xi32, #tpu.memory_space<vmem>>) semaphore(%arg11 : memref<!tpu.dma_semaphore, #tpu.memory_space<semaphore_mem>>)
    %dma_start3A_198 = arith.constant 9 : i32
    %dma_start3A_199 = arith.constant 1152 : i32
    %dma_start3A_200 = arith.constant 0 : i32
    %dma_start3A_201 = tpu.memref_slice %arg9[%dma_start3A_199, %dma_start3A_200] : memref<1280x32xf32, #tpu.memory_space<vmem>> -> memref<128x32xf32, #tpu.memory_space<vmem>>
    %dma_start3A_202 = arith.constant 0 : i32
    %dma_start3A_203 = tpu.memref_slice %arg7[%dma_start3A_198, %dma_start3A_202] : memref<10x128xi32, #tpu.memory_space<vmem>> -> memref<1x128xi32, #tpu.memory_space<vmem>>
    %dma_start3A_204 = tpu.memref_squeeze %dma_start3A_203 : memref<1x128xi32, #tpu.memory_space<vmem>> -> memref<128xi32, #tpu.memory_space<vmem>>
    %dma_start3A_205 = arith.constant 0 : i32
    %dma_start3A_206 = arith.constant 0 : i32
    %dma_start3A_207 = tpu.memref_slice %arg3[%dma_start3A_205, %dma_start3A_206] : memref<1000000x32xf32, #tpu.memory_space<hbm>> -> memref<1000000x32xf32, #tpu.memory_space<hbm>>
    tpu.enqueue_indirect_dma source(%dma_start3A_207 : memref<1000000x32xf32, #tpu.memory_space<hbm>>) target(%dma_start3A_201 : memref<128x32xf32, #tpu.memory_space<vmem>>) offsets(%dma_start3A_204 : memref<128xi32, #tpu.memory_space<vmem>>) semaphore(%arg11 : memref<!tpu.dma_semaphore, #tpu.memory_space<semaphore_mem>>)
    %scan3A = arith.constant 0 : i32
    %scan3A_208 = arith.constant 0 : i32
    %scan3A_209 = arith.constant 40 : i32
    %scan3A_210 = arith.addi %scan3A_208, %scan3A_209 : i32
    %scan3A_211 = arith.constant 1 : i32
    scf.for %scan3A_224 = %scan3A_208 to %scan3A_210 step %scan3A_211  : i32 {
      %mul3A_225 = arith.constant 2 : i32
      %mul3A_226 = arith.muli %mul3A_225, %scan3A_224 : i32
      %add3A_227 = arith.constant 1 : i32
      %add3A_228 = arith.addi %mul3A_226, %add3A_227 : i32
      %dma_wait3A_229 = arith.constant 0 : i32
      %dma_wait3A_230 = arith.constant 0 : i32
      %dma_wait3A_231 = tpu.memref_slice %arg3[%dma_wait3A_229, %dma_wait3A_230] : memref<1000000x32xf32, #tpu.memory_space<hbm>> -> memref<1280x32xf32, #tpu.memory_space<hbm>>
      %dma_wait3A_232 = arith.constant 0 : i32
      %dma_wait3A_233 = arith.constant 0 : i32
      %dma_wait3A_234 = tpu.memref_slice %arg3[%dma_wait3A_232, %dma_wait3A_233] : memref<1000000x32xf32, #tpu.memory_space<hbm>> -> memref<1280x32xf32, #tpu.memory_space<hbm>>
      tpu.wait_dma2 semaphore(%arg10 : memref<!tpu.dma_semaphore, #tpu.memory_space<semaphore_mem>>) src(%dma_wait3A_234 : memref<1280x32xf32, #tpu.memory_space<hbm>>) dst(%arg8 : memref<1280x32xf32, #tpu.memory_space<vmem>>)
      %mul3A_235 = arith.constant 1280 : i32
      %mul3A_236 = arith.muli %mul3A_226, %mul3A_235 : i32
      %add3A_237 = arith.addi %mul3A_2, %mul3A_236 : i32
      %dma_start3A_238 = arith.constant 0 : i32
      %dma_start3A_239 = arith.constant 0 : i32
      %dma_start3A_240 = tpu.memref_slice %arg8[%dma_start3A_238, %dma_start3A_239] : memref<1280x32xf32, #tpu.memory_space<vmem>> -> memref<1280x16xf32, #tpu.memory_space<vmem>>
      %dma_start3A_241 = arith.constant 0 : i32
      %dma_start3A_242 = tpu.memref_slice %arg4[%add3A_237, %dma_start3A_241] : memref<3276800x16xf32, #tpu.memory_space<hbm>> -> memref<1280x16xf32, #tpu.memory_space<hbm>>
      %dma_start3A_243 = arith.constant 0 : i32
      %dma_start3A_244 = tpu.memref_slice %arg4[%add3A_237, %dma_start3A_243] : memref<3276800x16xf32, #tpu.memory_space<hbm>> -> memref<1280x16xf32, #tpu.memory_space<hbm>>
      %dma_start3A_245 = arith.constant 0 : i32
      %dma_start3A_246 = arith.constant 0 : i32
      %dma_start3A_247 = tpu.memref_slice %arg8[%dma_start3A_245, %dma_start3A_246] : memref<1280x32xf32, #tpu.memory_space<vmem>> -> memref<1280x16xf32, #tpu.memory_space<vmem>>
      tpu.enqueue_dma source(%dma_start3A_247 : memref<1280x16xf32, #tpu.memory_space<vmem>>) target(%dma_start3A_244 : memref<1280x16xf32, #tpu.memory_space<hbm>>) target_semaphore(%arg12 : memref<!tpu.dma_semaphore, #tpu.memory_space<semaphore_mem>>)
      %dma_start3A_248 = arith.constant 0 : i32
      %dma_start3A_249 = arith.constant 16 : i32
      %dma_start3A_250 = tpu.memref_slice %arg8[%dma_start3A_248, %dma_start3A_249] : memref<1280x32xf32, #tpu.memory_space<vmem>> -> memref<1280x16xf32, #tpu.memory_space<vmem>>
      %dma_start3A_251 = arith.constant 0 : i32
      %dma_start3A_252 = tpu.memref_slice %arg5[%add3A_237, %dma_start3A_251] : memref<3276800x16xf32, #tpu.memory_space<hbm>> -> memref<1280x16xf32, #tpu.memory_space<hbm>>
      %dma_start3A_253 = arith.constant 0 : i32
      %dma_start3A_254 = tpu.memref_slice %arg5[%add3A_237, %dma_start3A_253] : memref<3276800x16xf32, #tpu.memory_space<hbm>> -> memref<1280x16xf32, #tpu.memory_space<hbm>>
      %dma_start3A_255 = arith.constant 0 : i32
      %dma_start3A_256 = arith.constant 16 : i32
      %dma_start3A_257 = tpu.memref_slice %arg8[%dma_start3A_255, %dma_start3A_256] : memref<1280x32xf32, #tpu.memory_space<vmem>> -> memref<1280x16xf32, #tpu.memory_space<vmem>>
      tpu.enqueue_dma source(%dma_start3A_257 : memref<1280x16xf32, #tpu.memory_space<vmem>>) target(%dma_start3A_254 : memref<1280x16xf32, #tpu.memory_space<hbm>>) target_semaphore(%arg12 : memref<!tpu.dma_semaphore, #tpu.memory_space<semaphore_mem>>)
      %dma_wait3A_258 = arith.constant 0 : i32
      %dma_wait3A_259 = arith.constant 0 : i32
      %dma_wait3A_260 = tpu.memref_slice %arg3[%dma_wait3A_258, %dma_wait3A_259] : memref<1000000x32xf32, #tpu.memory_space<hbm>> -> memref<1280x32xf32, #tpu.memory_space<hbm>>
      %dma_wait3A_261 = arith.constant 0 : i32
      %dma_wait3A_262 = arith.constant 0 : i32
      %dma_wait3A_263 = tpu.memref_slice %arg3[%dma_wait3A_261, %dma_wait3A_262] : memref<1000000x32xf32, #tpu.memory_space<hbm>> -> memref<1280x32xf32, #tpu.memory_space<hbm>>
      tpu.wait_dma2 semaphore(%arg11 : memref<!tpu.dma_semaphore, #tpu.memory_space<semaphore_mem>>) src(%dma_wait3A_263 : memref<1280x32xf32, #tpu.memory_space<hbm>>) dst(%arg9 : memref<1280x32xf32, #tpu.memory_space<vmem>>)
      %mul3A_264 = arith.constant 1280 : i32
      %mul3A_265 = arith.muli %add3A_228, %mul3A_264 : i32
      %add3A_266 = arith.addi %mul3A_2, %mul3A_265 : i32
      %dma_start3A_267 = arith.constant 0 : i32
      %dma_start3A_268 = arith.constant 0 : i32
      %dma_start3A_269 = tpu.memref_slice %arg9[%dma_start3A_267, %dma_start3A_268] : memref<1280x32xf32, #tpu.memory_space<vmem>> -> memref<1280x16xf32, #tpu.memory_space<vmem>>
      %dma_start3A_270 = arith.constant 0 : i32
      %dma_start3A_271 = tpu.memref_slice %arg4[%add3A_266, %dma_start3A_270] : memref<3276800x16xf32, #tpu.memory_space<hbm>> -> memref<1280x16xf32, #tpu.memory_space<hbm>>
      %dma_start3A_272 = arith.constant 0 : i32
      %dma_start3A_273 = tpu.memref_slice %arg4[%add3A_266, %dma_start3A_272] : memref<3276800x16xf32, #tpu.memory_space<hbm>> -> memref<1280x16xf32, #tpu.memory_space<hbm>>
      %dma_start3A_274 = arith.constant 0 : i32
      %dma_start3A_275 = arith.constant 0 : i32
      %dma_start3A_276 = tpu.memref_slice %arg9[%dma_start3A_274, %dma_start3A_275] : memref<1280x32xf32, #tpu.memory_space<vmem>> -> memref<1280x16xf32, #tpu.memory_space<vmem>>
      tpu.enqueue_dma source(%dma_start3A_276 : memref<1280x16xf32, #tpu.memory_space<vmem>>) target(%dma_start3A_273 : memref<1280x16xf32, #tpu.memory_space<hbm>>) target_semaphore(%arg13 : memref<!tpu.dma_semaphore, #tpu.memory_space<semaphore_mem>>)
      %dma_start3A_277 = arith.constant 0 : i32
      %dma_start3A_278 = arith.constant 16 : i32
      %dma_start3A_279 = tpu.memref_slice %arg9[%dma_start3A_277, %dma_start3A_278] : memref<1280x32xf32, #tpu.memory_space<vmem>> -> memref<1280x16xf32, #tpu.memory_space<vmem>>
      %dma_start3A_280 = arith.constant 0 : i32
      %dma_start3A_281 = tpu.memref_slice %arg5[%add3A_266, %dma_start3A_280] : memref<3276800x16xf32, #tpu.memory_space<hbm>> -> memref<1280x16xf32, #tpu.memory_space<hbm>>
      %dma_start3A_282 = arith.constant 0 : i32
      %dma_start3A_283 = tpu.memref_slice %arg5[%add3A_266, %dma_start3A_282] : memref<3276800x16xf32, #tpu.memory_space<hbm>> -> memref<1280x16xf32, #tpu.memory_space<hbm>>
      %dma_start3A_284 = arith.constant 0 : i32
      %dma_start3A_285 = arith.constant 16 : i32
      %dma_start3A_286 = tpu.memref_slice %arg9[%dma_start3A_284, %dma_start3A_285] : memref<1280x32xf32, #tpu.memory_space<vmem>> -> memref<1280x16xf32, #tpu.memory_space<vmem>>
      tpu.enqueue_dma source(%dma_start3A_286 : memref<1280x16xf32, #tpu.memory_space<vmem>>) target(%dma_start3A_283 : memref<1280x16xf32, #tpu.memory_space<hbm>>) target_semaphore(%arg13 : memref<!tpu.dma_semaphore, #tpu.memory_space<semaphore_mem>>)
      %add3A_287 = arith.constant 2 : i32
      %add3A_288 = arith.addi %mul3A_226, %add3A_287 : i32
      %min3A = arith.constant 79 : i32
      %min3A_289 = arith.minsi %add3A_288, %min3A : i32
      %add3A_290 = arith.constant 2 : i32
      %add3A_291 = arith.addi %add3A_228, %add3A_290 : i32
      %min3A_292 = arith.constant 79 : i32
      %min3A_293 = arith.minsi %add3A_291, %min3A_292 : i32
      %dma_wait3A_294 = arith.constant 0 : i32
      %dma_wait3A_295 = arith.constant 0 : i32
      %dma_wait3A_296 = tpu.memref_slice %arg8[%dma_wait3A_294, %dma_wait3A_295] : memref<1280x32xf32, #tpu.memory_space<vmem>> -> memref<1280x16xf32, #tpu.memory_space<vmem>>
      %dma_wait3A_297 = arith.constant 0 : i32
      %dma_wait3A_298 = arith.constant 0 : i32
      %dma_wait3A_299 = tpu.memref_slice %arg4[%dma_wait3A_297, %dma_wait3A_298] : memref<3276800x16xf32, #tpu.memory_space<hbm>> -> memref<1280x16xf32, #tpu.memory_space<hbm>>
      %dma_wait3A_300 = arith.constant 0 : i32
      %dma_wait3A_301 = arith.constant 0 : i32
      %dma_wait3A_302 = tpu.memref_slice %arg4[%dma_wait3A_300, %dma_wait3A_301] : memref<3276800x16xf32, #tpu.memory_space<hbm>> -> memref<1280x16xf32, #tpu.memory_space<hbm>>
      %dma_wait3A_303 = arith.constant 0 : i32
      %dma_wait3A_304 = arith.constant 0 : i32
      %dma_wait3A_305 = tpu.memref_slice %arg8[%dma_wait3A_303, %dma_wait3A_304] : memref<1280x32xf32, #tpu.memory_space<vmem>> -> memref<1280x16xf32, #tpu.memory_space<vmem>>
      tpu.wait_dma2 semaphore(%arg12 : memref<!tpu.dma_semaphore, #tpu.memory_space<semaphore_mem>>) src(%dma_wait3A_305 : memref<1280x16xf32, #tpu.memory_space<vmem>>) dst(%dma_wait3A_302 : memref<1280x16xf32, #tpu.memory_space<hbm>>)
      %dma_wait3A_306 = arith.constant 0 : i32
      %dma_wait3A_307 = arith.constant 16 : i32
      %dma_wait3A_308 = tpu.memref_slice %arg8[%dma_wait3A_306, %dma_wait3A_307] : memref<1280x32xf32, #tpu.memory_space<vmem>> -> memref<1280x16xf32, #tpu.memory_space<vmem>>
      %dma_wait3A_309 = arith.constant 0 : i32
      %dma_wait3A_310 = arith.constant 0 : i32
      %dma_wait3A_311 = tpu.memref_slice %arg5[%dma_wait3A_309, %dma_wait3A_310] : memref<3276800x16xf32, #tpu.memory_space<hbm>> -> memref<1280x16xf32, #tpu.memory_space<hbm>>
      %dma_wait3A_312 = arith.constant 0 : i32
      %dma_wait3A_313 = arith.constant 0 : i32
      %dma_wait3A_314 = tpu.memref_slice %arg5[%dma_wait3A_312, %dma_wait3A_313] : memref<3276800x16xf32, #tpu.memory_space<hbm>> -> memref<1280x16xf32, #tpu.memory_space<hbm>>
      %dma_wait3A_315 = arith.constant 0 : i32
      %dma_wait3A_316 = arith.constant 16 : i32
      %dma_wait3A_317 = tpu.memref_slice %arg8[%dma_wait3A_315, %dma_wait3A_316] : memref<1280x32xf32, #tpu.memory_space<vmem>> -> memref<1280x16xf32, #tpu.memory_space<vmem>>
      tpu.wait_dma2 semaphore(%arg12 : memref<!tpu.dma_semaphore, #tpu.memory_space<semaphore_mem>>) src(%dma_wait3A_317 : memref<1280x16xf32, #tpu.memory_space<vmem>>) dst(%dma_wait3A_314 : memref<1280x16xf32, #tpu.memory_space<hbm>>)
      %mul3A_318 = arith.constant 10 : i32
      %mul3A_319 = arith.muli %min3A_289, %mul3A_318 : i32
      %add3A_320 = arith.addi %mul3A_4, %mul3A_319 : i32
      "tpu.region"() ({
        %run_scoped3A = tpu.sem_alloc : memref<!tpu.dma_semaphore, #tpu.memory_space<semaphore_mem>>
        %dma_start3A_548 = arith.constant 0 : i32
        %dma_start3A_549 = tpu.memref_slice %arg2[%add3A_320, %dma_start3A_548] : memref<25600x128xi32, #tpu.memory_space<hbm>> -> memref<10x128xi32, #tpu.memory_space<hbm>>
        %dma_start3A_550 = arith.constant 0 : i32
        %dma_start3A_551 = tpu.memref_slice %arg2[%add3A_320, %dma_start3A_550] : memref<25600x128xi32, #tpu.memory_space<hbm>> -> memref<10x128xi32, #tpu.memory_space<hbm>>
        tpu.enqueue_dma source(%dma_start3A_551 : memref<10x128xi32, #tpu.memory_space<hbm>>) target(%arg6 : memref<10x128xi32, #tpu.memory_space<vmem>>) target_semaphore(%run_scoped3A : memref<!tpu.dma_semaphore, #tpu.memory_space<semaphore_mem>>)
        %dma_wait3A_552 = arith.constant 0 : i32
        %dma_wait3A_553 = tpu.memref_slice %arg2[%add3A_320, %dma_wait3A_552] : memref<25600x128xi32, #tpu.memory_space<hbm>> -> memref<10x128xi32, #tpu.memory_space<hbm>>
        %dma_wait3A_554 = arith.constant 0 : i32
        %dma_wait3A_555 = tpu.memref_slice %arg2[%add3A_320, %dma_wait3A_554] : memref<25600x128xi32, #tpu.memory_space<hbm>> -> memref<10x128xi32, #tpu.memory_space<hbm>>
        tpu.wait_dma2 semaphore(%run_scoped3A : memref<!tpu.dma_semaphore, #tpu.memory_space<semaphore_mem>>) src(%dma_wait3A_555 : memref<10x128xi32, #tpu.memory_space<hbm>>) dst(%arg6 : memref<10x128xi32, #tpu.memory_space<vmem>>)
        tpu.yield
      }) : () -> ()
      %dma_start3A_321 = arith.constant 0 : i32
      %dma_start3A_322 = arith.constant 0 : i32
      %dma_start3A_323 = arith.constant 0 : i32
      %dma_start3A_324 = tpu.memref_slice %arg8[%dma_start3A_322, %dma_start3A_323] : memref<1280x32xf32, #tpu.memory_space<vmem>> -> memref<128x32xf32, #tpu.memory_space<vmem>>
      %dma_start3A_325 = arith.constant 0 : i32
      %dma_start3A_326 = tpu.memref_slice %arg6[%dma_start3A_321, %dma_start3A_325] : memref<10x128xi32, #tpu.memory_space<vmem>> -> memref<1x128xi32, #tpu.memory_space<vmem>>
      %dma_start3A_327 = tpu.memref_squeeze %dma_start3A_326 : memref<1x128xi32, #tpu.memory_space<vmem>> -> memref<128xi32, #tpu.memory_space<vmem>>
      %dma_start3A_328 = arith.constant 0 : i32
      %dma_start3A_329 = arith.constant 0 : i32
      %dma_start3A_330 = tpu.memref_slice %arg3[%dma_start3A_328, %dma_start3A_329] : memref<1000000x32xf32, #tpu.memory_space<hbm>> -> memref<1000000x32xf32, #tpu.memory_space<hbm>>
      tpu.enqueue_indirect_dma source(%dma_start3A_330 : memref<1000000x32xf32, #tpu.memory_space<hbm>>) target(%dma_start3A_324 : memref<128x32xf32, #tpu.memory_space<vmem>>) offsets(%dma_start3A_327 : memref<128xi32, #tpu.memory_space<vmem>>) semaphore(%arg10 : memref<!tpu.dma_semaphore, #tpu.memory_space<semaphore_mem>>)
      %dma_start3A_331 = arith.constant 1 : i32
      %dma_start3A_332 = arith.constant 128 : i32
      %dma_start3A_333 = arith.constant 0 : i32
      %dma_start3A_334 = tpu.memref_slice %arg8[%dma_start3A_332, %dma_start3A_333] : memref<1280x32xf32, #tpu.memory_space<vmem>> -> memref<128x32xf32, #tpu.memory_space<vmem>>
      %dma_start3A_335 = arith.constant 0 : i32
      %dma_start3A_336 = tpu.memref_slice %arg6[%dma_start3A_331, %dma_start3A_335] : memref<10x128xi32, #tpu.memory_space<vmem>> -> memref<1x128xi32, #tpu.memory_space<vmem>>
      %dma_start3A_337 = tpu.memref_squeeze %dma_start3A_336 : memref<1x128xi32, #tpu.memory_space<vmem>> -> memref<128xi32, #tpu.memory_space<vmem>>
      %dma_start3A_338 = arith.constant 0 : i32
      %dma_start3A_339 = arith.constant 0 : i32
      %dma_start3A_340 = tpu.memref_slice %arg3[%dma_start3A_338, %dma_start3A_339] : memref<1000000x32xf32, #tpu.memory_space<hbm>> -> memref<1000000x32xf32, #tpu.memory_space<hbm>>
      tpu.enqueue_indirect_dma source(%dma_start3A_340 : memref<1000000x32xf32, #tpu.memory_space<hbm>>) target(%dma_start3A_334 : memref<128x32xf32, #tpu.memory_space<vmem>>) offsets(%dma_start3A_337 : memref<128xi32, #tpu.memory_space<vmem>>) semaphore(%arg10 : memref<!tpu.dma_semaphore, #tpu.memory_space<semaphore_mem>>)
      %dma_start3A_341 = arith.constant 2 : i32
      %dma_start3A_342 = arith.constant 256 : i32
      %dma_start3A_343 = arith.constant 0 : i32
      %dma_start3A_344 = tpu.memref_slice %arg8[%dma_start3A_342, %dma_start3A_343] : memref<1280x32xf32, #tpu.memory_space<vmem>> -> memref<128x32xf32, #tpu.memory_space<vmem>>
      %dma_start3A_345 = arith.constant 0 : i32
      %dma_start3A_346 = tpu.memref_slice %arg6[%dma_start3A_341, %dma_start3A_345] : memref<10x128xi32, #tpu.memory_space<vmem>> -> memref<1x128xi32, #tpu.memory_space<vmem>>
      %dma_start3A_347 = tpu.memref_squeeze %dma_start3A_346 : memref<1x128xi32, #tpu.memory_space<vmem>> -> memref<128xi32, #tpu.memory_space<vmem>>
      %dma_start3A_348 = arith.constant 0 : i32
      %dma_start3A_349 = arith.constant 0 : i32
      %dma_start3A_350 = tpu.memref_slice %arg3[%dma_start3A_348, %dma_start3A_349] : memref<1000000x32xf32, #tpu.memory_space<hbm>> -> memref<1000000x32xf32, #tpu.memory_space<hbm>>
      tpu.enqueue_indirect_dma source(%dma_start3A_350 : memref<1000000x32xf32, #tpu.memory_space<hbm>>) target(%dma_start3A_344 : memref<128x32xf32, #tpu.memory_space<vmem>>) offsets(%dma_start3A_347 : memref<128xi32, #tpu.memory_space<vmem>>) semaphore(%arg10 : memref<!tpu.dma_semaphore, #tpu.memory_space<semaphore_mem>>)
      %dma_start3A_351 = arith.constant 3 : i32
      %dma_start3A_352 = arith.constant 384 : i32
      %dma_start3A_353 = arith.constant 0 : i32
      %dma_start3A_354 = tpu.memref_slice %arg8[%dma_start3A_352, %dma_start3A_353] : memref<1280x32xf32, #tpu.memory_space<vmem>> -> memref<128x32xf32, #tpu.memory_space<vmem>>
      %dma_start3A_355 = arith.constant 0 : i32
      %dma_start3A_356 = tpu.memref_slice %arg6[%dma_start3A_351, %dma_start3A_355] : memref<10x128xi32, #tpu.memory_space<vmem>> -> memref<1x128xi32, #tpu.memory_space<vmem>>
      %dma_start3A_357 = tpu.memref_squeeze %dma_start3A_356 : memref<1x128xi32, #tpu.memory_space<vmem>> -> memref<128xi32, #tpu.memory_space<vmem>>
      %dma_start3A_358 = arith.constant 0 : i32
      %dma_start3A_359 = arith.constant 0 : i32
      %dma_start3A_360 = tpu.memref_slice %arg3[%dma_start3A_358, %dma_start3A_359] : memref<1000000x32xf32, #tpu.memory_space<hbm>> -> memref<1000000x32xf32, #tpu.memory_space<hbm>>
      tpu.enqueue_indirect_dma source(%dma_start3A_360 : memref<1000000x32xf32, #tpu.memory_space<hbm>>) target(%dma_start3A_354 : memref<128x32xf32, #tpu.memory_space<vmem>>) offsets(%dma_start3A_357 : memref<128xi32, #tpu.memory_space<vmem>>) semaphore(%arg10 : memref<!tpu.dma_semaphore, #tpu.memory_space<semaphore_mem>>)
      %dma_start3A_361 = arith.constant 4 : i32
      %dma_start3A_362 = arith.constant 512 : i32
      %dma_start3A_363 = arith.constant 0 : i32
      %dma_start3A_364 = tpu.memref_slice %arg8[%dma_start3A_362, %dma_start3A_363] : memref<1280x32xf32, #tpu.memory_space<vmem>> -> memref<128x32xf32, #tpu.memory_space<vmem>>
      %dma_start3A_365 = arith.constant 0 : i32
      %dma_start3A_366 = tpu.memref_slice %arg6[%dma_start3A_361, %dma_start3A_365] : memref<10x128xi32, #tpu.memory_space<vmem>> -> memref<1x128xi32, #tpu.memory_space<vmem>>
      %dma_start3A_367 = tpu.memref_squeeze %dma_start3A_366 : memref<1x128xi32, #tpu.memory_space<vmem>> -> memref<128xi32, #tpu.memory_space<vmem>>
      %dma_start3A_368 = arith.constant 0 : i32
      %dma_start3A_369 = arith.constant 0 : i32
      %dma_start3A_370 = tpu.memref_slice %arg3[%dma_start3A_368, %dma_start3A_369] : memref<1000000x32xf32, #tpu.memory_space<hbm>> -> memref<1000000x32xf32, #tpu.memory_space<hbm>>
      tpu.enqueue_indirect_dma source(%dma_start3A_370 : memref<1000000x32xf32, #tpu.memory_space<hbm>>) target(%dma_start3A_364 : memref<128x32xf32, #tpu.memory_space<vmem>>) offsets(%dma_start3A_367 : memref<128xi32, #tpu.memory_space<vmem>>) semaphore(%arg10 : memref<!tpu.dma_semaphore, #tpu.memory_space<semaphore_mem>>)
      %dma_start3A_371 = arith.constant 5 : i32
      %dma_start3A_372 = arith.constant 640 : i32
      %dma_start3A_373 = arith.constant 0 : i32
      %dma_start3A_374 = tpu.memref_slice %arg8[%dma_start3A_372, %dma_start3A_373] : memref<1280x32xf32, #tpu.memory_space<vmem>> -> memref<128x32xf32, #tpu.memory_space<vmem>>
      %dma_start3A_375 = arith.constant 0 : i32
      %dma_start3A_376 = tpu.memref_slice %arg6[%dma_start3A_371, %dma_start3A_375] : memref<10x128xi32, #tpu.memory_space<vmem>> -> memref<1x128xi32, #tpu.memory_space<vmem>>
      %dma_start3A_377 = tpu.memref_squeeze %dma_start3A_376 : memref<1x128xi32, #tpu.memory_space<vmem>> -> memref<128xi32, #tpu.memory_space<vmem>>
      %dma_start3A_378 = arith.constant 0 : i32
      %dma_start3A_379 = arith.constant 0 : i32
      %dma_start3A_380 = tpu.memref_slice %arg3[%dma_start3A_378, %dma_start3A_379] : memref<1000000x32xf32, #tpu.memory_space<hbm>> -> memref<1000000x32xf32, #tpu.memory_space<hbm>>
      tpu.enqueue_indirect_dma source(%dma_start3A_380 : memref<1000000x32xf32, #tpu.memory_space<hbm>>) target(%dma_start3A_374 : memref<128x32xf32, #tpu.memory_space<vmem>>) offsets(%dma_start3A_377 : memref<128xi32, #tpu.memory_space<vmem>>) semaphore(%arg10 : memref<!tpu.dma_semaphore, #tpu.memory_space<semaphore_mem>>)
      %dma_start3A_381 = arith.constant 6 : i32
      %dma_start3A_382 = arith.constant 768 : i32
      %dma_start3A_383 = arith.constant 0 : i32
      %dma_start3A_384 = tpu.memref_slice %arg8[%dma_start3A_382, %dma_start3A_383] : memref<1280x32xf32, #tpu.memory_space<vmem>> -> memref<128x32xf32, #tpu.memory_space<vmem>>
      %dma_start3A_385 = arith.constant 0 : i32
      %dma_start3A_386 = tpu.memref_slice %arg6[%dma_start3A_381, %dma_start3A_385] : memref<10x128xi32, #tpu.memory_space<vmem>> -> memref<1x128xi32, #tpu.memory_space<vmem>>
      %dma_start3A_387 = tpu.memref_squeeze %dma_start3A_386 : memref<1x128xi32, #tpu.memory_space<vmem>> -> memref<128xi32, #tpu.memory_space<vmem>>
      %dma_start3A_388 = arith.constant 0 : i32
      %dma_start3A_389 = arith.constant 0 : i32
      %dma_start3A_390 = tpu.memref_slice %arg3[%dma_start3A_388, %dma_start3A_389] : memref<1000000x32xf32, #tpu.memory_space<hbm>> -> memref<1000000x32xf32, #tpu.memory_space<hbm>>
      tpu.enqueue_indirect_dma source(%dma_start3A_390 : memref<1000000x32xf32, #tpu.memory_space<hbm>>) target(%dma_start3A_384 : memref<128x32xf32, #tpu.memory_space<vmem>>) offsets(%dma_start3A_387 : memref<128xi32, #tpu.memory_space<vmem>>) semaphore(%arg10 : memref<!tpu.dma_semaphore, #tpu.memory_space<semaphore_mem>>)
      %dma_start3A_391 = arith.constant 7 : i32
      %dma_start3A_392 = arith.constant 896 : i32
      %dma_start3A_393 = arith.constant 0 : i32
      %dma_start3A_394 = tpu.memref_slice %arg8[%dma_start3A_392, %dma_start3A_393] : memref<1280x32xf32, #tpu.memory_space<vmem>> -> memref<128x32xf32, #tpu.memory_space<vmem>>
      %dma_start3A_395 = arith.constant 0 : i32
      %dma_start3A_396 = tpu.memref_slice %arg6[%dma_start3A_391, %dma_start3A_395] : memref<10x128xi32, #tpu.memory_space<vmem>> -> memref<1x128xi32, #tpu.memory_space<vmem>>
      %dma_start3A_397 = tpu.memref_squeeze %dma_start3A_396 : memref<1x128xi32, #tpu.memory_space<vmem>> -> memref<128xi32, #tpu.memory_space<vmem>>
      %dma_start3A_398 = arith.constant 0 : i32
      %dma_start3A_399 = arith.constant 0 : i32
      %dma_start3A_400 = tpu.memref_slice %arg3[%dma_start3A_398, %dma_start3A_399] : memref<1000000x32xf32, #tpu.memory_space<hbm>> -> memref<1000000x32xf32, #tpu.memory_space<hbm>>
      tpu.enqueue_indirect_dma source(%dma_start3A_400 : memref<1000000x32xf32, #tpu.memory_space<hbm>>) target(%dma_start3A_394 : memref<128x32xf32, #tpu.memory_space<vmem>>) offsets(%dma_start3A_397 : memref<128xi32, #tpu.memory_space<vmem>>) semaphore(%arg10 : memref<!tpu.dma_semaphore, #tpu.memory_space<semaphore_mem>>)
      %dma_start3A_401 = arith.constant 8 : i32
      %dma_start3A_402 = arith.constant 1024 : i32
      %dma_start3A_403 = arith.constant 0 : i32
      %dma_start3A_404 = tpu.memref_slice %arg8[%dma_start3A_402, %dma_start3A_403] : memref<1280x32xf32, #tpu.memory_space<vmem>> -> memref<128x32xf32, #tpu.memory_space<vmem>>
      %dma_start3A_405 = arith.constant 0 : i32
      %dma_start3A_406 = tpu.memref_slice %arg6[%dma_start3A_401, %dma_start3A_405] : memref<10x128xi32, #tpu.memory_space<vmem>> -> memref<1x128xi32, #tpu.memory_space<vmem>>
      %dma_start3A_407 = tpu.memref_squeeze %dma_start3A_406 : memref<1x128xi32, #tpu.memory_space<vmem>> -> memref<128xi32, #tpu.memory_space<vmem>>
      %dma_start3A_408 = arith.constant 0 : i32
      %dma_start3A_409 = arith.constant 0 : i32
      %dma_start3A_410 = tpu.memref_slice %arg3[%dma_start3A_408, %dma_start3A_409] : memref<1000000x32xf32, #tpu.memory_space<hbm>> -> memref<1000000x32xf32, #tpu.memory_space<hbm>>
      tpu.enqueue_indirect_dma source(%dma_start3A_410 : memref<1000000x32xf32, #tpu.memory_space<hbm>>) target(%dma_start3A_404 : memref<128x32xf32, #tpu.memory_space<vmem>>) offsets(%dma_start3A_407 : memref<128xi32, #tpu.memory_space<vmem>>) semaphore(%arg10 : memref<!tpu.dma_semaphore, #tpu.memory_space<semaphore_mem>>)
      %dma_start3A_411 = arith.constant 9 : i32
      %dma_start3A_412 = arith.constant 1152 : i32
      %dma_start3A_413 = arith.constant 0 : i32
      %dma_start3A_414 = tpu.memref_slice %arg8[%dma_start3A_412, %dma_start3A_413] : memref<1280x32xf32, #tpu.memory_space<vmem>> -> memref<128x32xf32, #tpu.memory_space<vmem>>
      %dma_start3A_415 = arith.constant 0 : i32
      %dma_start3A_416 = tpu.memref_slice %arg6[%dma_start3A_411, %dma_start3A_415] : memref<10x128xi32, #tpu.memory_space<vmem>> -> memref<1x128xi32, #tpu.memory_space<vmem>>
      %dma_start3A_417 = tpu.memref_squeeze %dma_start3A_416 : memref<1x128xi32, #tpu.memory_space<vmem>> -> memref<128xi32, #tpu.memory_space<vmem>>
      %dma_start3A_418 = arith.constant 0 : i32
      %dma_start3A_419 = arith.constant 0 : i32
      %dma_start3A_420 = tpu.memref_slice %arg3[%dma_start3A_418, %dma_start3A_419] : memref<1000000x32xf32, #tpu.memory_space<hbm>> -> memref<1000000x32xf32, #tpu.memory_space<hbm>>
      tpu.enqueue_indirect_dma source(%dma_start3A_420 : memref<1000000x32xf32, #tpu.memory_space<hbm>>) target(%dma_start3A_414 : memref<128x32xf32, #tpu.memory_space<vmem>>) offsets(%dma_start3A_417 : memref<128xi32, #tpu.memory_space<vmem>>) semaphore(%arg10 : memref<!tpu.dma_semaphore, #tpu.memory_space<semaphore_mem>>)
      %dma_wait3A_421 = arith.constant 0 : i32
      %dma_wait3A_422 = arith.constant 0 : i32
      %dma_wait3A_423 = tpu.memref_slice %arg9[%dma_wait3A_421, %dma_wait3A_422] : memref<1280x32xf32, #tpu.memory_space<vmem>> -> memref<1280x16xf32, #tpu.memory_space<vmem>>
      %dma_wait3A_424 = arith.constant 0 : i32
      %dma_wait3A_425 = arith.constant 0 : i32
      %dma_wait3A_426 = tpu.memref_slice %arg4[%dma_wait3A_424, %dma_wait3A_425] : memref<3276800x16xf32, #tpu.memory_space<hbm>> -> memref<1280x16xf32, #tpu.memory_space<hbm>>
      %dma_wait3A_427 = arith.constant 0 : i32
      %dma_wait3A_428 = arith.constant 0 : i32
      %dma_wait3A_429 = tpu.memref_slice %arg4[%dma_wait3A_427, %dma_wait3A_428] : memref<3276800x16xf32, #tpu.memory_space<hbm>> -> memref<1280x16xf32, #tpu.memory_space<hbm>>
      %dma_wait3A_430 = arith.constant 0 : i32
      %dma_wait3A_431 = arith.constant 0 : i32
      %dma_wait3A_432 = tpu.memref_slice %arg9[%dma_wait3A_430, %dma_wait3A_431] : memref<1280x32xf32, #tpu.memory_space<vmem>> -> memref<1280x16xf32, #tpu.memory_space<vmem>>
      tpu.wait_dma2 semaphore(%arg13 : memref<!tpu.dma_semaphore, #tpu.memory_space<semaphore_mem>>) src(%dma_wait3A_432 : memref<1280x16xf32, #tpu.memory_space<vmem>>) dst(%dma_wait3A_429 : memref<1280x16xf32, #tpu.memory_space<hbm>>)
      %dma_wait3A_433 = arith.constant 0 : i32
      %dma_wait3A_434 = arith.constant 16 : i32
      %dma_wait3A_435 = tpu.memref_slice %arg9[%dma_wait3A_433, %dma_wait3A_434] : memref<1280x32xf32, #tpu.memory_space<vmem>> -> memref<1280x16xf32, #tpu.memory_space<vmem>>
      %dma_wait3A_436 = arith.constant 0 : i32
      %dma_wait3A_437 = arith.constant 0 : i32
      %dma_wait3A_438 = tpu.memref_slice %arg5[%dma_wait3A_436, %dma_wait3A_437] : memref<3276800x16xf32, #tpu.memory_space<hbm>> -> memref<1280x16xf32, #tpu.memory_space<hbm>>
      %dma_wait3A_439 = arith.constant 0 : i32
      %dma_wait3A_440 = arith.constant 0 : i32
      %dma_wait3A_441 = tpu.memref_slice %arg5[%dma_wait3A_439, %dma_wait3A_440] : memref<3276800x16xf32, #tpu.memory_space<hbm>> -> memref<1280x16xf32, #tpu.memory_space<hbm>>
      %dma_wait3A_442 = arith.constant 0 : i32
      %dma_wait3A_443 = arith.constant 16 : i32
      %dma_wait3A_444 = tpu.memref_slice %arg9[%dma_wait3A_442, %dma_wait3A_443] : memref<1280x32xf32, #tpu.memory_space<vmem>> -> memref<1280x16xf32, #tpu.memory_space<vmem>>
      tpu.wait_dma2 semaphore(%arg13 : memref<!tpu.dma_semaphore, #tpu.memory_space<semaphore_mem>>) src(%dma_wait3A_444 : memref<1280x16xf32, #tpu.memory_space<vmem>>) dst(%dma_wait3A_441 : memref<1280x16xf32, #tpu.memory_space<hbm>>)
      %mul3A_445 = arith.constant 10 : i32
      %mul3A_446 = arith.muli %min3A_293, %mul3A_445 : i32
      %add3A_447 = arith.addi %mul3A_4, %mul3A_446 : i32
      "tpu.region"() ({
        %run_scoped3A = tpu.sem_alloc : memref<!tpu.dma_semaphore, #tpu.memory_space<semaphore_mem>>
        %dma_start3A_548 = arith.constant 0 : i32
        %dma_start3A_549 = tpu.memref_slice %arg2[%add3A_447, %dma_start3A_548] : memref<25600x128xi32, #tpu.memory_space<hbm>> -> memref<10x128xi32, #tpu.memory_space<hbm>>
        %dma_start3A_550 = arith.constant 0 : i32
        %dma_start3A_551 = tpu.memref_slice %arg2[%add3A_447, %dma_start3A_550] : memref<25600x128xi32, #tpu.memory_space<hbm>> -> memref<10x128xi32, #tpu.memory_space<hbm>>
        tpu.enqueue_dma source(%dma_start3A_551 : memref<10x128xi32, #tpu.memory_space<hbm>>) target(%arg7 : memref<10x128xi32, #tpu.memory_space<vmem>>) target_semaphore(%run_scoped3A : memref<!tpu.dma_semaphore, #tpu.memory_space<semaphore_mem>>)
        %dma_wait3A_552 = arith.constant 0 : i32
        %dma_wait3A_553 = tpu.memref_slice %arg2[%add3A_447, %dma_wait3A_552] : memref<25600x128xi32, #tpu.memory_space<hbm>> -> memref<10x128xi32, #tpu.memory_space<hbm>>
        %dma_wait3A_554 = arith.constant 0 : i32
        %dma_wait3A_555 = tpu.memref_slice %arg2[%add3A_447, %dma_wait3A_554] : memref<25600x128xi32, #tpu.memory_space<hbm>> -> memref<10x128xi32, #tpu.memory_space<hbm>>
        tpu.wait_dma2 semaphore(%run_scoped3A : memref<!tpu.dma_semaphore, #tpu.memory_space<semaphore_mem>>) src(%dma_wait3A_555 : memref<10x128xi32, #tpu.memory_space<hbm>>) dst(%arg7 : memref<10x128xi32, #tpu.memory_space<vmem>>)
        tpu.yield
      }) : () -> ()
      %dma_start3A_448 = arith.constant 0 : i32
      %dma_start3A_449 = arith.constant 0 : i32
      %dma_start3A_450 = arith.constant 0 : i32
      %dma_start3A_451 = tpu.memref_slice %arg9[%dma_start3A_449, %dma_start3A_450] : memref<1280x32xf32, #tpu.memory_space<vmem>> -> memref<128x32xf32, #tpu.memory_space<vmem>>
      %dma_start3A_452 = arith.constant 0 : i32
      %dma_start3A_453 = tpu.memref_slice %arg7[%dma_start3A_448, %dma_start3A_452] : memref<10x128xi32, #tpu.memory_space<vmem>> -> memref<1x128xi32, #tpu.memory_space<vmem>>
      %dma_start3A_454 = tpu.memref_squeeze %dma_start3A_453 : memref<1x128xi32, #tpu.memory_space<vmem>> -> memref<128xi32, #tpu.memory_space<vmem>>
      %dma_start3A_455 = arith.constant 0 : i32
      %dma_start3A_456 = arith.constant 0 : i32
      %dma_start3A_457 = tpu.memref_slice %arg3[%dma_start3A_455, %dma_start3A_456] : memref<1000000x32xf32, #tpu.memory_space<hbm>> -> memref<1000000x32xf32, #tpu.memory_space<hbm>>
      tpu.enqueue_indirect_dma source(%dma_start3A_457 : memref<1000000x32xf32, #tpu.memory_space<hbm>>) target(%dma_start3A_451 : memref<128x32xf32, #tpu.memory_space<vmem>>) offsets(%dma_start3A_454 : memref<128xi32, #tpu.memory_space<vmem>>) semaphore(%arg11 : memref<!tpu.dma_semaphore, #tpu.memory_space<semaphore_mem>>)
      %dma_start3A_458 = arith.constant 1 : i32
      %dma_start3A_459 = arith.constant 128 : i32
      %dma_start3A_460 = arith.constant 0 : i32
      %dma_start3A_461 = tpu.memref_slice %arg9[%dma_start3A_459, %dma_start3A_460] : memref<1280x32xf32, #tpu.memory_space<vmem>> -> memref<128x32xf32, #tpu.memory_space<vmem>>
      %dma_start3A_462 = arith.constant 0 : i32
      %dma_start3A_463 = tpu.memref_slice %arg7[%dma_start3A_458, %dma_start3A_462] : memref<10x128xi32, #tpu.memory_space<vmem>> -> memref<1x128xi32, #tpu.memory_space<vmem>>
      %dma_start3A_464 = tpu.memref_squeeze %dma_start3A_463 : memref<1x128xi32, #tpu.memory_space<vmem>> -> memref<128xi32, #tpu.memory_space<vmem>>
      %dma_start3A_465 = arith.constant 0 : i32
      %dma_start3A_466 = arith.constant 0 : i32
      %dma_start3A_467 = tpu.memref_slice %arg3[%dma_start3A_465, %dma_start3A_466] : memref<1000000x32xf32, #tpu.memory_space<hbm>> -> memref<1000000x32xf32, #tpu.memory_space<hbm>>
      tpu.enqueue_indirect_dma source(%dma_start3A_467 : memref<1000000x32xf32, #tpu.memory_space<hbm>>) target(%dma_start3A_461 : memref<128x32xf32, #tpu.memory_space<vmem>>) offsets(%dma_start3A_464 : memref<128xi32, #tpu.memory_space<vmem>>) semaphore(%arg11 : memref<!tpu.dma_semaphore, #tpu.memory_space<semaphore_mem>>)
      %dma_start3A_468 = arith.constant 2 : i32
      %dma_start3A_469 = arith.constant 256 : i32
      %dma_start3A_470 = arith.constant 0 : i32
      %dma_start3A_471 = tpu.memref_slice %arg9[%dma_start3A_469, %dma_start3A_470] : memref<1280x32xf32, #tpu.memory_space<vmem>> -> memref<128x32xf32, #tpu.memory_space<vmem>>
      %dma_start3A_472 = arith.constant 0 : i32
      %dma_start3A_473 = tpu.memref_slice %arg7[%dma_start3A_468, %dma_start3A_472] : memref<10x128xi32, #tpu.memory_space<vmem>> -> memref<1x128xi32, #tpu.memory_space<vmem>>
      %dma_start3A_474 = tpu.memref_squeeze %dma_start3A_473 : memref<1x128xi32, #tpu.memory_space<vmem>> -> memref<128xi32, #tpu.memory_space<vmem>>
      %dma_start3A_475 = arith.constant 0 : i32
      %dma_start3A_476 = arith.constant 0 : i32
      %dma_start3A_477 = tpu.memref_slice %arg3[%dma_start3A_475, %dma_start3A_476] : memref<1000000x32xf32, #tpu.memory_space<hbm>> -> memref<1000000x32xf32, #tpu.memory_space<hbm>>
      tpu.enqueue_indirect_dma source(%dma_start3A_477 : memref<1000000x32xf32, #tpu.memory_space<hbm>>) target(%dma_start3A_471 : memref<128x32xf32, #tpu.memory_space<vmem>>) offsets(%dma_start3A_474 : memref<128xi32, #tpu.memory_space<vmem>>) semaphore(%arg11 : memref<!tpu.dma_semaphore, #tpu.memory_space<semaphore_mem>>)
      %dma_start3A_478 = arith.constant 3 : i32
      %dma_start3A_479 = arith.constant 384 : i32
      %dma_start3A_480 = arith.constant 0 : i32
      %dma_start3A_481 = tpu.memref_slice %arg9[%dma_start3A_479, %dma_start3A_480] : memref<1280x32xf32, #tpu.memory_space<vmem>> -> memref<128x32xf32, #tpu.memory_space<vmem>>
      %dma_start3A_482 = arith.constant 0 : i32
      %dma_start3A_483 = tpu.memref_slice %arg7[%dma_start3A_478, %dma_start3A_482] : memref<10x128xi32, #tpu.memory_space<vmem>> -> memref<1x128xi32, #tpu.memory_space<vmem>>
      %dma_start3A_484 = tpu.memref_squeeze %dma_start3A_483 : memref<1x128xi32, #tpu.memory_space<vmem>> -> memref<128xi32, #tpu.memory_space<vmem>>
      %dma_start3A_485 = arith.constant 0 : i32
      %dma_start3A_486 = arith.constant 0 : i32
      %dma_start3A_487 = tpu.memref_slice %arg3[%dma_start3A_485, %dma_start3A_486] : memref<1000000x32xf32, #tpu.memory_space<hbm>> -> memref<1000000x32xf32, #tpu.memory_space<hbm>>
      tpu.enqueue_indirect_dma source(%dma_start3A_487 : memref<1000000x32xf32, #tpu.memory_space<hbm>>) target(%dma_start3A_481 : memref<128x32xf32, #tpu.memory_space<vmem>>) offsets(%dma_start3A_484 : memref<128xi32, #tpu.memory_space<vmem>>) semaphore(%arg11 : memref<!tpu.dma_semaphore, #tpu.memory_space<semaphore_mem>>)
      %dma_start3A_488 = arith.constant 4 : i32
      %dma_start3A_489 = arith.constant 512 : i32
      %dma_start3A_490 = arith.constant 0 : i32
      %dma_start3A_491 = tpu.memref_slice %arg9[%dma_start3A_489, %dma_start3A_490] : memref<1280x32xf32, #tpu.memory_space<vmem>> -> memref<128x32xf32, #tpu.memory_space<vmem>>
      %dma_start3A_492 = arith.constant 0 : i32
      %dma_start3A_493 = tpu.memref_slice %arg7[%dma_start3A_488, %dma_start3A_492] : memref<10x128xi32, #tpu.memory_space<vmem>> -> memref<1x128xi32, #tpu.memory_space<vmem>>
      %dma_start3A_494 = tpu.memref_squeeze %dma_start3A_493 : memref<1x128xi32, #tpu.memory_space<vmem>> -> memref<128xi32, #tpu.memory_space<vmem>>
      %dma_start3A_495 = arith.constant 0 : i32
      %dma_start3A_496 = arith.constant 0 : i32
      %dma_start3A_497 = tpu.memref_slice %arg3[%dma_start3A_495, %dma_start3A_496] : memref<1000000x32xf32, #tpu.memory_space<hbm>> -> memref<1000000x32xf32, #tpu.memory_space<hbm>>
      tpu.enqueue_indirect_dma source(%dma_start3A_497 : memref<1000000x32xf32, #tpu.memory_space<hbm>>) target(%dma_start3A_491 : memref<128x32xf32, #tpu.memory_space<vmem>>) offsets(%dma_start3A_494 : memref<128xi32, #tpu.memory_space<vmem>>) semaphore(%arg11 : memref<!tpu.dma_semaphore, #tpu.memory_space<semaphore_mem>>)
      %dma_start3A_498 = arith.constant 5 : i32
      %dma_start3A_499 = arith.constant 640 : i32
      %dma_start3A_500 = arith.constant 0 : i32
      %dma_start3A_501 = tpu.memref_slice %arg9[%dma_start3A_499, %dma_start3A_500] : memref<1280x32xf32, #tpu.memory_space<vmem>> -> memref<128x32xf32, #tpu.memory_space<vmem>>
      %dma_start3A_502 = arith.constant 0 : i32
      %dma_start3A_503 = tpu.memref_slice %arg7[%dma_start3A_498, %dma_start3A_502] : memref<10x128xi32, #tpu.memory_space<vmem>> -> memref<1x128xi32, #tpu.memory_space<vmem>>
      %dma_start3A_504 = tpu.memref_squeeze %dma_start3A_503 : memref<1x128xi32, #tpu.memory_space<vmem>> -> memref<128xi32, #tpu.memory_space<vmem>>
      %dma_start3A_505 = arith.constant 0 : i32
      %dma_start3A_506 = arith.constant 0 : i32
      %dma_start3A_507 = tpu.memref_slice %arg3[%dma_start3A_505, %dma_start3A_506] : memref<1000000x32xf32, #tpu.memory_space<hbm>> -> memref<1000000x32xf32, #tpu.memory_space<hbm>>
      tpu.enqueue_indirect_dma source(%dma_start3A_507 : memref<1000000x32xf32, #tpu.memory_space<hbm>>) target(%dma_start3A_501 : memref<128x32xf32, #tpu.memory_space<vmem>>) offsets(%dma_start3A_504 : memref<128xi32, #tpu.memory_space<vmem>>) semaphore(%arg11 : memref<!tpu.dma_semaphore, #tpu.memory_space<semaphore_mem>>)
      %dma_start3A_508 = arith.constant 6 : i32
      %dma_start3A_509 = arith.constant 768 : i32
      %dma_start3A_510 = arith.constant 0 : i32
      %dma_start3A_511 = tpu.memref_slice %arg9[%dma_start3A_509, %dma_start3A_510] : memref<1280x32xf32, #tpu.memory_space<vmem>> -> memref<128x32xf32, #tpu.memory_space<vmem>>
      %dma_start3A_512 = arith.constant 0 : i32
      %dma_start3A_513 = tpu.memref_slice %arg7[%dma_start3A_508, %dma_start3A_512] : memref<10x128xi32, #tpu.memory_space<vmem>> -> memref<1x128xi32, #tpu.memory_space<vmem>>
      %dma_start3A_514 = tpu.memref_squeeze %dma_start3A_513 : memref<1x128xi32, #tpu.memory_space<vmem>> -> memref<128xi32, #tpu.memory_space<vmem>>
      %dma_start3A_515 = arith.constant 0 : i32
      %dma_start3A_516 = arith.constant 0 : i32
      %dma_start3A_517 = tpu.memref_slice %arg3[%dma_start3A_515, %dma_start3A_516] : memref<1000000x32xf32, #tpu.memory_space<hbm>> -> memref<1000000x32xf32, #tpu.memory_space<hbm>>
      tpu.enqueue_indirect_dma source(%dma_start3A_517 : memref<1000000x32xf32, #tpu.memory_space<hbm>>) target(%dma_start3A_511 : memref<128x32xf32, #tpu.memory_space<vmem>>) offsets(%dma_start3A_514 : memref<128xi32, #tpu.memory_space<vmem>>) semaphore(%arg11 : memref<!tpu.dma_semaphore, #tpu.memory_space<semaphore_mem>>)
      %dma_start3A_518 = arith.constant 7 : i32
      %dma_start3A_519 = arith.constant 896 : i32
      %dma_start3A_520 = arith.constant 0 : i32
      %dma_start3A_521 = tpu.memref_slice %arg9[%dma_start3A_519, %dma_start3A_520] : memref<1280x32xf32, #tpu.memory_space<vmem>> -> memref<128x32xf32, #tpu.memory_space<vmem>>
      %dma_start3A_522 = arith.constant 0 : i32
      %dma_start3A_523 = tpu.memref_slice %arg7[%dma_start3A_518, %dma_start3A_522] : memref<10x128xi32, #tpu.memory_space<vmem>> -> memref<1x128xi32, #tpu.memory_space<vmem>>
      %dma_start3A_524 = tpu.memref_squeeze %dma_start3A_523 : memref<1x128xi32, #tpu.memory_space<vmem>> -> memref<128xi32, #tpu.memory_space<vmem>>
      %dma_start3A_525 = arith.constant 0 : i32
      %dma_start3A_526 = arith.constant 0 : i32
      %dma_start3A_527 = tpu.memref_slice %arg3[%dma_start3A_525, %dma_start3A_526] : memref<1000000x32xf32, #tpu.memory_space<hbm>> -> memref<1000000x32xf32, #tpu.memory_space<hbm>>
      tpu.enqueue_indirect_dma source(%dma_start3A_527 : memref<1000000x32xf32, #tpu.memory_space<hbm>>) target(%dma_start3A_521 : memref<128x32xf32, #tpu.memory_space<vmem>>) offsets(%dma_start3A_524 : memref<128xi32, #tpu.memory_space<vmem>>) semaphore(%arg11 : memref<!tpu.dma_semaphore, #tpu.memory_space<semaphore_mem>>)
      %dma_start3A_528 = arith.constant 8 : i32
      %dma_start3A_529 = arith.constant 1024 : i32
      %dma_start3A_530 = arith.constant 0 : i32
      %dma_start3A_531 = tpu.memref_slice %arg9[%dma_start3A_529, %dma_start3A_530] : memref<1280x32xf32, #tpu.memory_space<vmem>> -> memref<128x32xf32, #tpu.memory_space<vmem>>
      %dma_start3A_532 = arith.constant 0 : i32
      %dma_start3A_533 = tpu.memref_slice %arg7[%dma_start3A_528, %dma_start3A_532] : memref<10x128xi32, #tpu.memory_space<vmem>> -> memref<1x128xi32, #tpu.memory_space<vmem>>
      %dma_start3A_534 = tpu.memref_squeeze %dma_start3A_533 : memref<1x128xi32, #tpu.memory_space<vmem>> -> memref<128xi32, #tpu.memory_space<vmem>>
      %dma_start3A_535 = arith.constant 0 : i32
      %dma_start3A_536 = arith.constant 0 : i32
      %dma_start3A_537 = tpu.memref_slice %arg3[%dma_start3A_535, %dma_start3A_536] : memref<1000000x32xf32, #tpu.memory_space<hbm>> -> memref<1000000x32xf32, #tpu.memory_space<hbm>>
      tpu.enqueue_indirect_dma source(%dma_start3A_537 : memref<1000000x32xf32, #tpu.memory_space<hbm>>) target(%dma_start3A_531 : memref<128x32xf32, #tpu.memory_space<vmem>>) offsets(%dma_start3A_534 : memref<128xi32, #tpu.memory_space<vmem>>) semaphore(%arg11 : memref<!tpu.dma_semaphore, #tpu.memory_space<semaphore_mem>>)
      %dma_start3A_538 = arith.constant 9 : i32
      %dma_start3A_539 = arith.constant 1152 : i32
      %dma_start3A_540 = arith.constant 0 : i32
      %dma_start3A_541 = tpu.memref_slice %arg9[%dma_start3A_539, %dma_start3A_540] : memref<1280x32xf32, #tpu.memory_space<vmem>> -> memref<128x32xf32, #tpu.memory_space<vmem>>
      %dma_start3A_542 = arith.constant 0 : i32
      %dma_start3A_543 = tpu.memref_slice %arg7[%dma_start3A_538, %dma_start3A_542] : memref<10x128xi32, #tpu.memory_space<vmem>> -> memref<1x128xi32, #tpu.memory_space<vmem>>
      %dma_start3A_544 = tpu.memref_squeeze %dma_start3A_543 : memref<1x128xi32, #tpu.memory_space<vmem>> -> memref<128xi32, #tpu.memory_space<vmem>>
      %dma_start3A_545 = arith.constant 0 : i32
      %dma_start3A_546 = arith.constant 0 : i32
      %dma_start3A_547 = tpu.memref_slice %arg3[%dma_start3A_545, %dma_start3A_546] : memref<1000000x32xf32, #tpu.memory_space<hbm>> -> memref<1000000x32xf32, #tpu.memory_space<hbm>>
      tpu.enqueue_indirect_dma source(%dma_start3A_547 : memref<1000000x32xf32, #tpu.memory_space<hbm>>) target(%dma_start3A_541 : memref<128x32xf32, #tpu.memory_space<vmem>>) offsets(%dma_start3A_544 : memref<128xi32, #tpu.memory_space<vmem>>) semaphore(%arg11 : memref<!tpu.dma_semaphore, #tpu.memory_space<semaphore_mem>>)
    }
    %scan3A_212 = arith.constant 40 : i32
    %dma_wait3A = arith.constant 0 : i32
    %dma_wait3A_213 = arith.constant 0 : i32
    %dma_wait3A_214 = tpu.memref_slice %arg3[%dma_wait3A, %dma_wait3A_213] : memref<1000000x32xf32, #tpu.memory_space<hbm>> -> memref<1280x32xf32, #tpu.memory_space<hbm>>
    %dma_wait3A_215 = arith.constant 0 : i32
    %dma_wait3A_216 = arith.constant 0 : i32
    %dma_wait3A_217 = tpu.memref_slice %arg3[%dma_wait3A_215, %dma_wait3A_216] : memref<1000000x32xf32, #tpu.memory_space<hbm>> -> memref<1280x32xf32, #tpu.memory_space<hbm>>
    tpu.wait_dma2 semaphore(%arg10 : memref<!tpu.dma_semaphore, #tpu.memory_space<semaphore_mem>>) src(%dma_wait3A_217 : memref<1280x32xf32, #tpu.memory_space<hbm>>) dst(%arg8 : memref<1280x32xf32, #tpu.memory_space<vmem>>)
    %dma_wait3A_218 = arith.constant 0 : i32
    %dma_wait3A_219 = arith.constant 0 : i32
    %dma_wait3A_220 = tpu.memref_slice %arg3[%dma_wait3A_218, %dma_wait3A_219] : memref<1000000x32xf32, #tpu.memory_space<hbm>> -> memref<1280x32xf32, #tpu.memory_space<hbm>>
    %dma_wait3A_221 = arith.constant 0 : i32
    %dma_wait3A_222 = arith.constant 0 : i32
    %dma_wait3A_223 = tpu.memref_slice %arg3[%dma_wait3A_221, %dma_wait3A_222] : memref<1000000x32xf32, #tpu.memory_space<hbm>> -> memref<1280x32xf32, #tpu.memory_space<hbm>>
    tpu.wait_dma2 semaphore(%arg11 : memref<!tpu.dma_semaphore, #tpu.memory_space<semaphore_mem>>) src(%dma_wait3A_223 : memref<1280x32xf32, #tpu.memory_space<hbm>>) dst(%arg9 : memref<1280x32xf32, #tpu.memory_space<vmem>>)
    return
  }
}

</mosaic_0001>

<sc_bundles>
// kernel: kernel.3.cloned.1.call-start
scs
__scs_entry_jumppad:
0x0: {  	(pc) =	sbr.rel $0x88, $3  }
0x1: {  	(tag) =	ssettag $0x0;
	lr =	simm.s32 $0x1  }
0x2: {  	[smem:$0x3F9E] =	sst lr;
	_ =	strace $0xD0000000  }
0x3: {  	_ = 	snop  }
0x4: {  	_ = 	snop  }
0x5: {  	_ = 	snop  }
0x6: {  	_ = 	snop  }
0x7: {  	_ = 	snop  }
__scs_overlays_trampoline_lowered:
0x8: {  	[smem:$0x3FAD] =	sst s0  }
0x9: {  	[smem:$0x3FAE] =	sst s1  }
0xa: {  	[smem:$0x3FAF] =	sst s2  }
0xb: {  	[smem:$0x3FB0] =	sst s3  }
0xc: {  	[smem:$0x3FB1] =	sst s4  }
0xd: {  	[smem:$0x3FB2] =	sst s5  }
0xe: {  	[smem:$0x3FB3] =	sst s6  }
0xf: {  	[smem:$0x3FB4] =	sst s7  }
0x10: {  	[smem:$0x3FB5] =	sst s8  }
0x11: {  	[smem:$0x3FB6] =	sst s9;
	s0 =	simm.s32 @!p0 $0x0  }
0x12: {  	s1 =	sld [smem:$0x3F9C];
	s0 =	simm.s32 @p0 $0x1  }
0x13: {  	[smem:$0x3FB7] =	sst s0;
	s0 =	simm.s32 @!p1 $0x0  }
0x14: {  	s2 =	sld [smem:$0x3F9B];
	s0 =	simm.s32 @p1 $0x1  }
0x15: {  	[smem:$0x3FB8] =	sst s0;
	s0 =	simm.s32 @!p2 $0x0  }
0x16: {  	s3 =	sld [smem:$0x3FDB];
	s0 =	simm.s32 @p2 $0x1  }
0x17: {  	s4 =	simm.s32 $0x1BF5;
	[smem:$0x3FBA] =	sst s0  }
0x18: {  	s0 =	sld [smem:$0x3F9D];
	_ =	swait.ge [sflag:s4], $0x0  }
0x19: {  	s7 =	sld [smem:$0x3F9E]  }
0x1a: {  	s8 =	sadd.s32 $0xFFFFE003, lr  }
0x1b: {  	s9 =	sadd.s32 $0xFFFFFEF7, lr;
	s5 =	simm.s32 $0xFFFFFFFF;
	p2 =	slt.u32 s8, $0xFFFFF086  }
0x1c: {  	p1 =	slt.u32 s9, $0xF7A;
	s5 =	simm.s32 @!p2 $0x0  }
0x1d: {  	s5 =	simm.s32 @p1 $0x1;
	p0 =	seq.s32 s7, s2  }
0x1e: {  	s7 =	smul.u32 @!p0 $0xF7A, s2;
	p2 =	seq.s32 @!p0 s5, $0x0  }
0x1f: {  	s9 =	smul.u32 $0xF7A, s1;
	s8 =	simm.s32 @!p0 $0x1BF5;
	p2 =	por !p2, p0  }
0x20: {  	[sflag:s8] =	ssyncset.s32 @!p0 $0xFFFFF086;
	s6 =	sadd.s32 @!p0 s3, s7;
	s7 =	simm.s32 @!p0 $0x108  }
0x21: {  	s3 =	sadd.s32 s3, s9;
	s6 =	sadd.s32 @!p0 $0x88, s6;
	s7 =	simm.s32 @p2 $0x1082  }
0x22: {  	[simem:s7], [sflag:s8] =	dma.local @!p0 [hbm:s6], $0xF7A  }
0x23: {  	s9 =	sor.u32 $0xD0000000, s2;
	s6 =	simm.s32 $0x108;
	_ =	swait.ge @!p0 [sflag:s8], $0x0  }
0x24: {  	s3 =	sadd.s32 $0x88, s3;
	s6 =	simm.s32 @!p1 $0x1082;
	[sflag:s4] =	ssyncset.s32 $0xFFFFF086  }
0x25: {  	[simem:s6], [sflag:s4] =	dma.local [hbm:s3], $0xF7A  }
0x26: {  	[smem:$0x3F9E] =	sst s1;
	(tag) =	ssettag s2;
	_ =	strace s9  }
0x27: {  	s1 =	sld [smem:$0x3FAE]  }
0x28: {  	s2 =	sld [smem:$0x3FAF]  }
0x29: {  	s4 =	sld [smem:$0x3FB1]  }
0x2a: {  	p0 =	seq.s32 s5, $0x0;
	s5 =	sld [smem:$0x3FB2]  }
0x2b: {  	s6 =	sld [smem:$0x3FB3]  }
0x2c: {  	s7 =	sld [smem:$0x3FB4]  }
0x2d: {  	s3 =	simm.s32 $0x108;
	s8 =	sld [smem:$0x3FB5]  }
0x2e: {  	s3 =	simm.s32 @!p0 $0x1082;
	s9 =	sld [smem:$0x3FB6]  }
0x2f: {  	lr =	sadd.s32 s0, s3;
	s0 =	sld [smem:$0x3FAD]  }
0x30: {  	s3 =	sld [smem:$0x3FB0]  }
0x31: {  	[smem:$0x3FB9] =	sst s10  }
0x32: {  	s10 =	sld [smem:$0x3FB7];
	_ =	sdelay $0x3  }
0x33: {  	p0 =	seq.s32 s10, $0x1;
	s10 =	sld [smem:$0x3FB9];
	_ =	sdelay $0x3  }
0x34: {  	[smem:$0x3FB9] =	sst s10  }
0x35: {  	s10 =	sld [smem:$0x3FB8];
	_ =	sdelay $0x3  }
0x36: {  	p1 =	seq.s32 s10, $0x1;
	s10 =	sld [smem:$0x3FB9];
	_ =	sdelay $0x3  }
0x37: {  	[smem:$0x3FB9] =	sst s10  }
0x38: {  	s10 =	sld [smem:$0x3FBA]  }
0x39: {  	_ = 	snop;
	(pc) =	sbr.ind lr, $3  }
0x3a: {  	_ = 	snop  }
0x3b: {  	_ = 	snop  }
0x3c: {  	p2 =	seq.s32 s10, $0x1;
	s10 =	sld [smem:$0x3FB9]  }
0x3d: {  	_ =	shalt  }
0x3e: {  	_ =	shalt  }
0x3f: {  	_ =	shalt  }
0x40: {  	_ =	shalt  }
0x41: {  	_ =	shalt  }
0x42: {  	_ =	shalt  }
0x43: {  	_ =	shalt  }
0x44: {  	_ =	shalt  }
0x45: {  	_ =	shalt  }
0x46: {  	_ =	shalt  }
0x47: {  	_ =	shalt  }
0x48: {  	_ =	shalt  }
0x49: {  	_ =	shalt  }
0x4a: {  	_ =	shalt  }
0x4b: {  	_ =	shalt  }
0x4c: {  	_ =	shalt  }
0x4d: {  	_ =	shalt  }
0x4e: {  	_ =	shalt  }
0x4f: {  	_ =	shalt  }
0x50: {  	_ =	shalt  }
0x51: {  	_ =	shalt  }
0x52: {  	_ =	shalt  }
0x53: {  	_ =	shalt  }
0x54: {  	_ =	shalt  }
0x55: {  	_ =	shalt  }
0x56: {  	_ =	shalt  }
0x57: {  	_ =	shalt  }
0x58: {  	_ =	shalt  }
0x59: {  	_ =	shalt  }
0x5a: {  	_ =	shalt  }
0x5b: {  	_ =	shalt  }
0x5c: {  	_ =	shalt  }
0x5d: {  	_ =	shalt  }
0x5e: {  	_ =	shalt  }
0x5f: {  	_ =	shalt  }
0x60: {  	_ =	shalt  }
0x61: {  	_ =	shalt  }
0x62: {  	_ =	shalt  }
0x63: {  	_ =	shalt  }
0x64: {  	_ =	shalt  }
0x65: {  	_ =	shalt  }
0x66: {  	_ =	shalt  }
0x67: {  	_ =	shalt  }
0x68: {  	_ =	shalt  }
0x69: {  	_ =	shalt  }
0x6a: {  	_ =	shalt  }
0x6b: {  	_ =	shalt  }
0x6c: {  	_ =	shalt  }
0x6d: {  	_ =	shalt  }
0x6e: {  	_ =	shalt  }
0x6f: {  	_ =	shalt  }
0x70: {  	_ =	shalt  }
0x71: {  	_ =	shalt  }
0x72: {  	_ =	shalt  }
0x73: {  	_ =	shalt  }
0x74: {  	_ =	shalt  }
0x75: {  	_ =	shalt  }
0x76: {  	_ =	shalt  }
0x77: {  	_ =	shalt  }
0x78: {  	_ =	shalt  }
0x79: {  	_ =	shalt  }
0x7a: {  	_ =	shalt  }
0x7b: {  	_ =	shalt  }
0x7c: {  	_ =	shalt  }
0x7d: {  	_ =	shalt  }
0x7e: {  	_ =	shalt  }
0x7f: {  	_ =	shalt  }
0x80: {  	_ =	shalt  }
0x81: {  	_ =	shalt  }
0x82: {  	_ =	shalt  }
0x83: {  	_ =	shalt  }
0x84: {  	_ =	shalt  }
0x85: {  	_ =	shalt  }
0x86: {  	_ =	shalt  }
0x87: {  	_ =	shalt  }
.Lfunc_end0:
.L_simem_size_0:
called_computation.3_lowered:
.L_overlay_start_0:
0x88: {  	s2 =	sld [smem:$0x3FD9]  }
0x89: {  	s3 =	sld [smem:$0x3FFE];
	_ =	sdelay $0x1  }
0x8a: {  	s1 =	srdreg.scid  }
0x8b: {  	s0 =	sand.u32 $0x1, s1  }
0x8c: {  	s14 =	sshll.u32 s0, $0xA;
	s2 =	sadd.s32 s3, s2  }
0x8d: {  	s2 =	sadd.s32 s2, s14  }
0x8e: {  	[smem:$0x3FC5] =	sst s2  }
0x8f: {  	_ = 	snop  }
0x90: {  	s2 =	sld [smem:$0x3FD0];
	_ =	sdelay $0x2  }
0x91: {  	s15 =	simm.s32 $0xB;
	s4 =	simm.s32 $0x10  }
0x92: {  	[smem:s4], [sflag:s15] =	dma.local [hbm:s2], $0x1  }
0x93: {  	_ =	swait.eq [sflag:s15], $0x1  }
0x94: {  	s16 =	sld [smem:$0x10];
	[sflag:s15] =	ssyncset.done $0x0  }
0x95: {  	s17 =	sld [smem:$0x11];
	[sflag:s15] =	ssyncadd.s32 $0xFFFFFFFF  }
0x96: {  	s18 =	sld [smem:$0x12];
	(tm) =	ssettm $0x1  }
0x97: {  	s5 =	sld [smem:$0x3FFB];
	_ =	sdelay $0x3  }
0x98: {  	_ =	strace s5  }
0x99: {  	s5 =	sld [smem:$0x3FFC];
	_ =	sdelay $0x3  }
0x9a: {  	_ =	strace s5  }
0x9b: {  	s5 =	sld [smem:$0x3FFD];
	_ =	sdelay $0x3  }
0x9c: {  	_ =	strace s5  }
0x9d: {  	_ =	strace $0x8FFFFFFF  }
0x9e: {  	s19 =	sld [smem:$0x3FDB];
	_ =	sdelay $0x1  }
0x9f: {  	s6 =	simm.s32 $_scs_section_size  }
0xa0: {  	s7 =	simm.s32 $_size__tile_overlayer_lowered;
	s8 =	simm.s32 $_tile_overlayer_lowered  }
0xa1: {  	s22 =	simm.s32 $0x1BFF;
	s21 =	sshll.u32 s8, $0x1;
	s5 =	sadd.s32 s6, s19  }
0xa2: {  	s9 =	simm.s32 $0x0;
	s20 =	sshll.u32 s7, $0x1;
	s7 =	sadd.s32 s21, s5  }
0xa3: {  	[timem:s9], [sflag:s22] =	dma.local [hbm:s7], s20  }
0xa4: {  	_ =	swait.ge [sflag:s22], s20  }
0xa5: {  	s6 =	ssub.s32 $0x0, s20;
	[sflag:s22] =	ssyncset.done $0x0  }
0xa6: {  	[sflag:s22] =	ssyncadd.s32 s6;
	_ =	sdelay $0x1  }
0xa7: {  	s23 =	simm.s32 $0x1B8B  }
0xa8: {  	_ =	swait.ge [sflag:s23], $0x1  }
0xa9: {  	[sflag:s23] =	ssyncset.done $0x0  }
0xaa: {  	s25 =	simm.s32 $0x1B8E;
	s24 =	sld [smem:$0x3FFE];
	[sflag:s23] =	ssyncadd.s32 $0xFFFFFFFF  }
0xab: {  	s26 =	simm.s32 $execute0_lowered;
	[smem:$0x3FD2] =	sst s25  }
0xac: {  	s7 =	sshll.u32 s26, $0x1;
	_ =	strace $0x80000049;
	[dreg:$0x1] =	wrdreg $0xFFFFFFFF  }
0xad: {  	s28 =	simm.s32 $_size_execute0_lowered;
	s5 =	sadd.s32 s5, s7;
	[dreg:$0x0] =	wrdreg $0x0  }
0xae: {  	s7 =	sshll.u32 s28, $0x1;
	[dreg:$0x2] =	wrdreg s5  }
0xaf: {  	[dreg:$0x3] =	wrdreg s7  }
0xb0: {  	[dreg:$0x4] =	wrdreg $0xC0  }
0xb1: {  	_ =	task [dreg:s9], $0x5FFFF  }
0xb2: {  	[dreg:$0x1] =	wrdreg $0xFFFFFFFF  }
0xb3: {  	[dreg:$0x0] =	wrdreg $0x60  }
0xb4: {  	[dreg:$0x2] =	wrdreg s24  }
0xb5: {  	[dreg:$0x3] =	wrdreg s17  }
0xb6: {  	[dreg:$0x4] =	wrdreg s16  }
0xb7: {  	[dreg:$0x5] =	wrdreg s18  }
0xb8: {  	[dreg:$0x6] =	wrdreg $0x9  }
0xb9: {  	_ =	task.clear_ibuf [dreg:s9], $0x7FFFF;
	_ =	strace $0x90000049  }
0xba: {  	s29 =	simm.s32 $0x9;
	_ =	strace $0x8000004B  }
0xbb: {  	_ =	swait.ge [sflag:s29], $0x1  }
0xbc: {  	[sflag:s29] =	ssyncadd.s32 $0xFFFFFFFF  }
0xbd: {  	_ =	strace $0x9000004B  }
0xbe: {  	_ =	sfence  }
0xbf: {  	s30 =	sld [smem:$0x0];
	_ =	sdelay $0x2  }
0xc0: {  	s31 =	sshll.u32 s1, $0xD;
	s1 =	sshrl.u32 s1, $0x2  }
0xc1: {  	s3 =	sand.u32 $0x4000, s31;
	s1 =	sadd.s32 s1, s30  }
0xc2: {  	s0 =	sor.u32 s3, s0;
	s1 =	sshll.u32 s1, $0x11  }
0xc3: {  	s0 =	sor.u32 s1, s0  }
0xc4: {  	s0 =	sadd.s32 $0x8F2B, s0  }
0xc5: {  	[sflag:s0] =	ssyncadd.remote.s32 $0x1  }
0xc6: {  	_ =	sfence.sel $0xFFFF  }
0xc7: {  	[dreg:$0x0] =	wrdreg $0xFFFFFFFF;
	(pc) =	sbr.abs _section_cstart, $3  }
0xc8: {  	[dreg:$0x1] =	wrdreg $0xFFFFFFFF  }
0xc9: {  	_ =	task.clear_ibuf [dreg:s9], $0x2FFFF;
	_ =	strace $0x9FFFFFFF  }
0xca: {  	(tm) =	ssettm $0x7FFFFFFF  }
0xcb: {  	_ =	shalt  }
tec
execute0_lowered:
.L_overlay_start_1:
0x0: {  	(tag) =	ssettag $0x1  }
0x1: {  	s0 =	rddreg [dreg:$0x0]  }
0x2: {  	s1 =	rddreg [dreg:$0x1]  }
0x3: {  	s3 =	rddreg [dreg:$0x2]  }
0x4: {  	s4 =	rddreg [dreg:$0x3]  }
0x5: {  	s2 =	srdreg.scid;
	s6 =	stileid.u32;
	s5 =	simm.s32 $0x0  }
0x6: {  	s14 =	simm.s32 $0x5;
	s15 =	simm.s32 $0x80;
	s13 =	simm.s32 $0x500  }
0x7: {  	s28 =	simm.s32 $0x10A00;
	s29 =	simm.s32 $0x880;
	s30 =	simm.s32 $0x11A00  }
0x8: {  	s31 =	simm.s32 $0x900;
	s2 =	sand.u32 $0x1, s2;
	s6 =	sshll.u32 s6, $0x1  }
0x9: {  	s16 =	simm.s32 $0x2;
	s17 =	simm.s32 $0x3;
	s8 =	sor.u32 s2, s6  }
0xa: {  	s18 =	simm.s32 $0x4;
	s20 =	simm.s32 $0x0;
	s9 =	smul.u32 $0x3200, s8  }
0xb: {  	[smem:$0x7FF] =	sst s5;
	s25 =	ssub.s32 $0x2, s2;
	s7 =	smul.u32 $0x19000, s8  }
0xc: {  	_ =	strace $0x8000004A;
	s2 =	sshrl.u32 s25, $0x1;
	s8 =	smul.u32 $0x320, s8  }
0xd: {  	s6 =	sadd.s32 $0xF43A00, s0;
	s0 =	ssub.s32 s25, s2;
	s2 =	simm.s32 $0x980  }
0xe: {  	s9 =	sadd.s32 s6, s9;
	s10 =	sor.u32 $0x500, s7;
	s11 =	sor.u32 $0x14, s8  }
0xf: {  	s12 =	sor.u32 $0x1E, s8;
	s0 =	smax.u32 s0, $0x1;
	[dreg:$0x5] =	wrdreg s9  }
0x10: {  	s8 =	simm.s32 $0x1;
	s26 =	sadd.s32 $0xA0, s9;
	[dreg:$0x7] =	wrdreg s0  }
0x11: {  	s0 =	simm.s32 $0x12A00;
	s9 =	simm.s32 $0x13A00;
	[dreg:$0x6] =	wrdreg s26  }
.LBB2_1:
0x12: {  	[dreg:$0x8] =	wrdreg s20  }
0x13: {  	s19 =	rddreg [dreg:$0x5]  }
0x14: {  	[tilespmem:s5], [sflag:$0x5] =	stream.linear.gather [hbm4b:s19+s5], $0x500, $0x38;
	[tilespmem:$0x14A00] =	vst v63  }
0x15: {  	_ =	swait.ge [sflag:s14], $0x500  }
0x16: {  	[sflag:s14] =	ssyncset.done $0x0  }
0x17: {  	s21 =	simm.s32 $0xA00;
	[sflag:s14] =	ssyncadd.s32 $0xFFFFFB00  }
0x18: {  	[tilespmem:s21], [sflag:$0x1] =	stream.indirect.gather [hbm4b:s1+s15], $0x20, s5, s15, $0xb8;
	[tilespmem:$0x14A00] =	vst v63  }
0x19: {  	s22 =	simm.s32 $0x1A00  }
0x1a: {  	[tilespmem:s22], [sflag:$0x1] =	stream.indirect.gather [hbm4b:s1+s15], $0x20, s15, s15, $0xb8;
	[tilespmem:$0x14A00] =	vst v63  }
0x1b: {  	s23 =	simm.s32 $0x100;
	s24 =	simm.s32 $0x2A00  }
0x1c: {  	[tilespmem:s24], [sflag:$0x1] =	stream.indirect.gather [hbm4b:s1+s15], $0x20, s23, s15, $0xb8;
	[tilespmem:$0x14A00] =	vst v63  }
0x1d: {  	s25 =	simm.s32 $0x180;
	s26 =	simm.s32 $0x3A00  }
0x1e: {  	[tilespmem:s26], [sflag:$0x1] =	stream.indirect.gather [hbm4b:s1+s15], $0x20, s25, s15, $0xb8;
	[tilespmem:$0x14A00] =	vst v63  }
0x1f: {  	s21 =	simm.s32 $0x200;
	s22 =	simm.s32 $0x4A00  }
0x20: {  	[tilespmem:s22], [sflag:$0x1] =	stream.indirect.gather [hbm4b:s1+s15], $0x20, s21, s15, $0xb8;
	[tilespmem:$0x14A00] =	vst v63  }
0x21: {  	s23 =	simm.s32 $0x280;
	s24 =	simm.s32 $0x5A00  }
0x22: {  	[tilespmem:s24], [sflag:$0x1] =	stream.indirect.gather [hbm4b:s1+s15], $0x20, s23, s15, $0xb8;
	[tilespmem:$0x14A00] =	vst v63  }
0x23: {  	s25 =	simm.s32 $0x300;
	s26 =	simm.s32 $0x6A00  }
0x24: {  	[tilespmem:s26], [sflag:$0x1] =	stream.indirect.gather [hbm4b:s1+s15], $0x20, s25, s15, $0xb8;
	[tilespmem:$0x14A00] =	vst v63  }
0x25: {  	s21 =	simm.s32 $0x380;
	s22 =	simm.s32 $0x7A00  }
0x26: {  	[tilespmem:s22], [sflag:$0x1] =	stream.indirect.gather [hbm4b:s1+s15], $0x20, s21, s15, $0xb8;
	[tilespmem:$0x14A00] =	vst v63  }
0x27: {  	s23 =	simm.s32 $0x400;
	s24 =	simm.s32 $0x8A00  }
0x28: {  	[tilespmem:s24], [sflag:$0x1] =	stream.indirect.gather [hbm4b:s1+s15], $0x20, s23, s15, $0xb8;
	[tilespmem:$0x14A00] =	vst v63  }
0x29: {  	s25 =	simm.s32 $0x480;
	s26 =	simm.s32 $0x9A00  }
0x2a: {  	[tilespmem:s26], [sflag:$0x1] =	stream.indirect.gather [hbm4b:s1+s15], $0x20, s25, s15, $0xb8;
	[tilespmem:$0x14A00] =	vst v63  }
0x2b: {  	s21 =	rddreg [dreg:$0x6]  }
0x2c: {  	[tilespmem:s13], [sflag:$0x5] =	stream.linear.gather [hbm4b:s21+s5], $0x500, $0x38;
	[tilespmem:$0x14A00] =	vst v63  }
0x2d: {  	_ =	swait.ge [sflag:s14], $0x500  }
0x2e: {  	[sflag:s14] =	ssyncset.done $0x0  }
0x2f: {  	s22 =	simm.s32 $0xAA00;
	[sflag:s14] =	ssyncadd.s32 $0xFFFFFB00  }
0x30: {  	[tilespmem:s22], [sflag:$0x2] =	stream.indirect.gather [hbm4b:s1+s15], $0x20, s13, s15, $0xb8;
	[tilespmem:$0x14A00] =	vst v63  }
0x31: {  	s23 =	simm.s32 $0x580;
	s24 =	simm.s32 $0xBA00  }
0x32: {  	[tilespmem:s24], [sflag:$0x2] =	stream.indirect.gather [hbm4b:s1+s15], $0x20, s23, s15, $0xb8;
	[tilespmem:$0x14A00] =	vst v63  }
0x33: {  	s25 =	simm.s32 $0x600;
	s26 =	simm.s32 $0xCA00  }
0x34: {  	[tilespmem:s26], [sflag:$0x2] =	stream.indirect.gather [hbm4b:s1+s15], $0x20, s25, s15, $0xb8;
	[tilespmem:$0x14A00] =	vst v63  }
0x35: {  	s20 =	simm.s32 $0x680;
	s21 =	simm.s32 $0xDA00  }
0x36: {  	[tilespmem:s21], [sflag:$0x2] =	stream.indirect.gather [hbm4b:s1+s15], $0x20, s20, s15, $0xb8;
	[tilespmem:$0x14A00] =	vst v63  }
0x37: {  	s22 =	simm.s32 $0x700;
	s23 =	simm.s32 $0xEA00  }
0x38: {  	[tilespmem:s23], [sflag:$0x2] =	stream.indirect.gather [hbm4b:s1+s15], $0x20, s22, s15, $0xb8;
	[tilespmem:$0x14A00] =	vst v63  }
0x39: {  	s24 =	simm.s32 $0x780;
	s25 =	simm.s32 $0xFA00  }
0x3a: {  	[tilespmem:s25], [sflag:$0x2] =	stream.indirect.gather [hbm4b:s1+s15], $0x20, s24, s15, $0xb8;
	[tilespmem:$0x14A00] =	vst v63  }
0x3b: {  	s26 =	simm.s32 $0x800  }
0x3c: {  	[tilespmem:s28], [sflag:$0x2] =	stream.indirect.gather [hbm4b:s1+s15], $0x20, s26, s15, $0xb8;
	[tilespmem:$0x14A00] =	vst v63  }
0x3d: {  	_ = 	snop  }
0x3e: {  	[tilespmem:s30], [sflag:$0x2] =	stream.indirect.gather [hbm4b:s1+s15], $0x20, s29, s15, $0xb8;
	[tilespmem:$0x14A00] =	vst v63  }
0x3f: {  	_ = 	snop  }
0x40: {  	[tilespmem:s0], [sflag:$0x2] =	stream.indirect.gather [hbm4b:s1+s15], $0x20, s31, s15, $0xb8;
	[tilespmem:$0x14A00] =	vst v63  }
0x41: {  	s19 =	simm.s32 $0x0  }
0x42: {  	[tilespmem:s9], [sflag:$0x2] =	stream.indirect.gather [hbm4b:s1+s15], $0x20, s2, s15, $0xb8;
	[tilespmem:$0x14A00] =	vst v63  }
.LBB2_2:
0x43: {  	s20 =	smul.u32 $0xA00, s19;
	_ =	sdelay $0x1  }
0x44: {  	s21 =	sadd.s32 s7, s20  }
0x45: {  	_ =	swait.ge [sflag:s8], $0xA000;
	s23 =	simm.s32 $0xA00;
	s21 =	sshll.u32 s21, $0x1  }
0x46: {  	s24 =	simm.s32 $0x2;
	[sflag:s8] =	ssyncset.done $0x0;
	s22 =	sadd.s32 s3, s21  }
0x47: {  	s25 =	simm.s32 $0xA20;
	[sflag:s8] =	ssyncadd.s32 $0xFFFF6000;
	s26 =	sadd.s32 $0x0, s22  }
.LBB2_3:
0x48: {  	[hbm4b:s26+s5] =	stream.linear.scatter [tilespmem:s23], [sflag:$0x3], $0x10, $0x38;
	[tilespmem:$0x14A00] =	vst v63  }
0x49: {  	s26 =	smov.u32 s24;
	s23 =	smov.u32 s25;
	p0 =	sne.s32 s24, $0x9FE  }
.Ltmp0:
0x4a: {  	s24 =	sadd.s32 $0x2, s24;
	(pc) =	sbr.rel @p0 .LBB2_3-.Ltmp0, $2  }
0x4b: {  	_ =	sdelay $0x2  }
0x4c: {  	s25 =	sadd.s32 $0x20, s25;
	s26 =	sadd.s32 s26, s22  }
0x4d: {  	[hbm4b:s26+s5] =	stream.linear.scatter [tilespmem:s23], [sflag:$0x3], $0x10, $0x38;
	[tilespmem:$0x14A00] =	vst v63  }
0x4e: {  	s21 =	sadd.s32 s4, s21;
	s22 =	simm.s32 $0xA10  }
0x4f: {  	s23 =	simm.s32 $0x2;
	s24 =	simm.s32 $0xA30;
	s25 =	sadd.s32 $0x0, s21  }
.LBB2_5:
0x50: {  	[hbm4b:s25+s5] =	stream.linear.scatter [tilespmem:s22], [sflag:$0x3], $0x10, $0x38;
	[tilespmem:$0x14A00] =	vst v63  }
0x51: {  	s25 =	smov.u32 s23;
	s22 =	smov.u32 s24;
	p0 =	sne.s32 s23, $0x9FE  }
.Ltmp1:
0x52: {  	s23 =	sadd.s32 $0x2, s23;
	(pc) =	sbr.rel @p0 .LBB2_5-.Ltmp1, $2  }
0x53: {  	_ =	sdelay $0x2  }
0x54: {  	s24 =	sadd.s32 $0x20, s24;
	s25 =	sadd.s32 s25, s21  }
0x55: {  	[hbm4b:s25+s5] =	stream.linear.scatter [tilespmem:s22], [sflag:$0x3], $0x10, $0x38;
	[tilespmem:$0x14A00] =	vst v63  }
0x56: {  	s20 =	sadd.s32 s20, s10  }
0x57: {  	s20 =	sshll.u32 s20, $0x1  }
0x58: {  	s22 =	simm.s32 $0xAA00;
	_ =	swait.ge [sflag:s16], $0xA000;
	s20 =	sand.u32 $0x1FFFFE00, s20  }
0x59: {  	s23 =	simm.s32 $0x2;
	[sflag:s16] =	ssyncset.done $0x0;
	s21 =	sadd.s32 s3, s20  }
0x5a: {  	s24 =	simm.s32 $0xAA20;
	[sflag:s16] =	ssyncadd.s32 $0xFFFF6000;
	s25 =	sadd.s32 $0x0, s21  }
.LBB2_7:
0x5b: {  	[hbm4b:s25+s5] =	stream.linear.scatter [tilespmem:s22], [sflag:$0x4], $0x10, $0x38;
	[tilespmem:$0x14A00] =	vst v63  }
0x5c: {  	s25 =	smov.u32 s23;
	s22 =	smov.u32 s24;
	p0 =	sne.s32 s23, $0x9FE  }
.Ltmp2:
0x5d: {  	s23 =	sadd.s32 $0x2, s23;
	(pc) =	sbr.rel @p0 .LBB2_7-.Ltmp2, $2  }
0x5e: {  	_ =	sdelay $0x2  }
0x5f: {  	s24 =	sadd.s32 $0x20, s24;
	s25 =	sadd.s32 s25, s21  }
0x60: {  	[hbm4b:s25+s5] =	stream.linear.scatter [tilespmem:s22], [sflag:$0x4], $0x10, $0x38;
	[tilespmem:$0x14A00] =	vst v63  }
0x61: {  	s20 =	sadd.s32 s4, s20;
	s21 =	simm.s32 $0xAA10  }
0x62: {  	s22 =	simm.s32 $0x2;
	s23 =	simm.s32 $0xAA30;
	s24 =	sadd.s32 $0x0, s20  }
.LBB2_9:
0x63: {  	[hbm4b:s24+s5] =	stream.linear.scatter [tilespmem:s21], [sflag:$0x4], $0x10, $0x38;
	[tilespmem:$0x14A00] =	vst v63  }
0x64: {  	s24 =	smov.u32 s22;
	s21 =	smov.u32 s23;
	p0 =	sne.s32 s22, $0x9FE  }
.Ltmp3:
0x65: {  	s22 =	sadd.s32 $0x2, s22;
	(pc) =	sbr.rel @p0 .LBB2_9-.Ltmp3, $2  }
0x66: {  	_ =	sdelay $0x2  }
0x67: {  	s23 =	sadd.s32 $0x20, s23;
	s24 =	sadd.s32 s24, s20  }
0x68: {  	[hbm4b:s24+s5] =	stream.linear.scatter [tilespmem:s21], [sflag:$0x4], $0x10, $0x38;
	[tilespmem:$0x14A00] =	vst v63  }
0x69: {  	s20 =	sshll.u32 s19, $0x1  }
0x6a: {  	s26 =	smin.u32 s20, $0x4D  }
0x6b: {  	_ =	swait.ge [sflag:s17], $0x5000;
	s21 =	smul.u32 $0xA, s26  }
0x6c: {  	[sflag:s17] =	ssyncset.done $0x0  }
0x6d: {  	[sflag:s17] =	ssyncadd.s32 $0xFFFFB000;
	s21 =	sadd.s32 s21, s11  }
0x6e: {  	_ =	swait.ge [sflag:s17], $0x5000;
	s21 =	sshll.u32 s21, $0x4  }
0x6f: {  	[sflag:s17] =	ssyncset.done $0x0;
	s21 =	sand.u32 $0xFFFE0, s21  }
0x70: {  	[sflag:s17] =	ssyncadd.s32 $0xFFFFB000;
	s21 =	sadd.s32 s6, s21  }
0x71: {  	[tilespmem:s5], [sflag:$0x5] =	stream.linear.gather [hbm4b:s21+s5], $0x500, $0x38;
	[tilespmem:$0x14A00] =	vst v63  }
0x72: {  	_ =	swait.ge [sflag:s14], $0x500  }
0x73: {  	[sflag:s14] =	ssyncset.done $0x0  }
0x74: {  	s22 =	simm.s32 $0xA00;
	[sflag:s14] =	ssyncadd.s32 $0xFFFFFB00  }
0x75: {  	[tilespmem:s22], [sflag:$0x1] =	stream.indirect.gather [hbm4b:s1+s15], $0x20, s5, s15, $0xb8;
	[tilespmem:$0x14A00] =	vst v63  }
0x76: {  	s23 =	simm.s32 $0x1A00  }
0x77: {  	[tilespmem:s23], [sflag:$0x1] =	stream.indirect.gather [hbm4b:s1+s15], $0x20, s15, s15, $0xb8;
	[tilespmem:$0x14A00] =	vst v63  }
0x78: {  	s24 =	simm.s32 $0x100;
	s22 =	simm.s32 $0x2A00  }
0x79: {  	[tilespmem:s22], [sflag:$0x1] =	stream.indirect.gather [hbm4b:s1+s15], $0x20, s24, s15, $0xb8;
	[tilespmem:$0x14A00] =	vst v63  }
0x7a: {  	s25 =	simm.s32 $0x180;
	s26 =	simm.s32 $0x3A00  }
0x7b: {  	[tilespmem:s26], [sflag:$0x1] =	stream.indirect.gather [hbm4b:s1+s15], $0x20, s25, s15, $0xb8;
	[tilespmem:$0x14A00] =	vst v63  }
0x7c: {  	s23 =	simm.s32 $0x200;
	s24 =	simm.s32 $0x4A00  }
0x7d: {  	[tilespmem:s24], [sflag:$0x1] =	stream.indirect.gather [hbm4b:s1+s15], $0x20, s23, s15, $0xb8;
	[tilespmem:$0x14A00] =	vst v63  }
0x7e: {  	s25 =	simm.s32 $0x280;
	s26 =	simm.s32 $0x5A00  }
0x7f: {  	[tilespmem:s26], [sflag:$0x1] =	stream.indirect.gather [hbm4b:s1+s15], $0x20, s25, s15, $0xb8;
	[tilespmem:$0x14A00] =	vst v63  }
0x80: {  	s23 =	simm.s32 $0x300;
	s24 =	simm.s32 $0x6A00  }
0x81: {  	[tilespmem:s24], [sflag:$0x1] =	stream.indirect.gather [hbm4b:s1+s15], $0x20, s23, s15, $0xb8;
	[tilespmem:$0x14A00] =	vst v63  }
0x82: {  	s25 =	simm.s32 $0x380;
	s26 =	simm.s32 $0x7A00  }
0x83: {  	[tilespmem:s26], [sflag:$0x1] =	stream.indirect.gather [hbm4b:s1+s15], $0x20, s25, s15, $0xb8;
	[tilespmem:$0x14A00] =	vst v63  }
0x84: {  	s22 =	simm.s32 $0x400;
	s23 =	simm.s32 $0x8A00  }
0x85: {  	[tilespmem:s23], [sflag:$0x1] =	stream.indirect.gather [hbm4b:s1+s15], $0x20, s22, s15, $0xb8;
	[tilespmem:$0x14A00] =	vst v63  }
0x86: {  	s20 =	smin.u32 s20, $0x4C;
	s24 =	simm.s32 $0x480;
	s25 =	simm.s32 $0x9A00  }
0x87: {  	[tilespmem:s25], [sflag:$0x1] =	stream.indirect.gather [hbm4b:s1+s15], $0x20, s24, s15, $0xb8;
	[tilespmem:$0x14A00] =	vst v63  }
0x88: {  	s20 =	smul.u32 $0xA, s20;
	_ =	swait.ge [sflag:s18], $0x5000  }
0x89: {  	[sflag:s18] =	ssyncset.done $0x0  }
0x8a: {  	s20 =	sadd.s32 s20, s12;
	[sflag:s18] =	ssyncadd.s32 $0xFFFFB000  }
0x8b: {  	s20 =	sshll.u32 s20, $0x4;
	_ =	swait.ge [sflag:s18], $0x5000  }
0x8c: {  	s20 =	sand.u32 $0xFFFE0, s20;
	[sflag:s18] =	ssyncset.done $0x0  }
0x8d: {  	s20 =	sadd.s32 s6, s20;
	[sflag:s18] =	ssyncadd.s32 $0xFFFFB000  }
0x8e: {  	[tilespmem:s13], [sflag:$0x5] =	stream.linear.gather [hbm4b:s20+s5], $0x500, $0x38;
	[tilespmem:$0x14A00] =	vst v63  }
0x8f: {  	_ =	swait.ge [sflag:s14], $0x500  }
0x90: {  	[sflag:s14] =	ssyncset.done $0x0  }
0x91: {  	s26 =	simm.s32 $0xAA00;
	[sflag:s14] =	ssyncadd.s32 $0xFFFFFB00  }
0x92: {  	[tilespmem:s26], [sflag:$0x2] =	stream.indirect.gather [hbm4b:s1+s15], $0x20, s13, s15, $0xb8;
	[tilespmem:$0x14A00] =	vst v63  }
0x93: {  	s21 =	simm.s32 $0x580;
	s22 =	simm.s32 $0xBA00  }
0x94: {  	[tilespmem:s22], [sflag:$0x2] =	stream.indirect.gather [hbm4b:s1+s15], $0x20, s21, s15, $0xb8;
	[tilespmem:$0x14A00] =	vst v63  }
0x95: {  	s23 =	simm.s32 $0x600;
	s24 =	simm.s32 $0xCA00  }
0x96: {  	[tilespmem:s24], [sflag:$0x2] =	stream.indirect.gather [hbm4b:s1+s15], $0x20, s23, s15, $0xb8;
	[tilespmem:$0x14A00] =	vst v63  }
0x97: {  	s25 =	simm.s32 $0x680;
	s26 =	simm.s32 $0xDA00  }
0x98: {  	[tilespmem:s26], [sflag:$0x2] =	stream.indirect.gather [hbm4b:s1+s15], $0x20, s25, s15, $0xb8;
	[tilespmem:$0x14A00] =	vst v63  }
0x99: {  	s22 =	simm.s32 $0x700;
	s23 =	simm.s32 $0xEA00  }
0x9a: {  	[tilespmem:s23], [sflag:$0x2] =	stream.indirect.gather [hbm4b:s1+s15], $0x20, s22, s15, $0xb8;
	[tilespmem:$0x14A00] =	vst v63  }
0x9b: {  	s24 =	simm.s32 $0x780;
	s25 =	simm.s32 $0xFA00  }
0x9c: {  	[tilespmem:s25], [sflag:$0x2] =	stream.indirect.gather [hbm4b:s1+s15], $0x20, s24, s15, $0xb8;
	[tilespmem:$0x14A00] =	vst v63  }
0x9d: {  	s19 =	sadd.s32 $0x1, s19;
	s26 =	simm.s32 $0x800  }
0x9e: {  	[tilespmem:s28], [sflag:$0x2] =	stream.indirect.gather [hbm4b:s1+s15], $0x20, s26, s15, $0xb8;
	[tilespmem:$0x14A00] =	vst v63  }
0x9f: {  	p0 =	sne.s32 s19, $0x28  }
0xa0: {  	[tilespmem:s30], [sflag:$0x2] =	stream.indirect.gather [hbm4b:s1+s15], $0x20, s29, s15, $0xb8;
	[tilespmem:$0x14A00] =	vst v63  }
.Ltmp4:
0xa1: {  	_ = 	snop;
	(pc) =	sbr.rel @p0 .LBB2_2-.Ltmp4, $4  }
0xa2: {  	_ = 	snop  }
0xa3: {  	[tilespmem:s0], [sflag:$0x2] =	stream.indirect.gather [hbm4b:s1+s15], $0x20, s31, s15, $0xb8;
	[tilespmem:$0x14A00] =	vst v63  }
0xa4: {  	_ = 	snop  }
0xa5: {  	[tilespmem:s9], [sflag:$0x2] =	stream.indirect.gather [hbm4b:s1+s15], $0x20, s2, s15, $0xb8;
	[tilespmem:$0x14A00] =	vst v63  }
0xa6: {  	_ =	swait.ge [sflag:s8], $0xA000  }
0xa7: {  	[sflag:s8] =	ssyncset.done $0x0  }
0xa8: {  	[sflag:s8] =	ssyncadd.s32 $0xFFFF6000  }
0xa9: {  	_ =	swait.ge [sflag:s16], $0xA000  }
0xaa: {  	s20 =	rddreg [dreg:$0x8]  }
0xab: {  	s19 =	rddreg [dreg:$0x7];
	s20 =	sadd.s32 $0x1, s20  }
0xac: {  	p0 =	sne.s32 s20, s19  }
.Ltmp5:
0xad: {  	_ = 	snop;
	(pc) =	sbr.rel @p0 .LBB2_1-.Ltmp5, $3  }
0xae: {  	_ =	sdelay $0x1  }
0xaf: {  	[sflag:s16] =	ssyncset.done $0x0  }
0xb0: {  	[sflag:s16] =	ssyncadd.s32 $0xFFFF6000  }
0xb1: {  	_ =	sfence.sel $0x180000  }
0xb2: {  	[bflag:$0x0] =	sbarrier.arrive $0xFFFF  }
0xb3: {  	_ =	strace $0x9000004A  }
0xb4: {  	s0 =	stileid.u32;
	[bflag:$0x2] =	sbarrier.arrive $0xFFFF  }
0xb5: {  	p0 =	sne.s32 s0, $0x0;
	s0 =	rddreg [dreg:$0x4]  }
0xb6: {  	s0 =	sadd.s32 @!p0 $0x100000, s0  }
0xb7: {  	[sflag:s0] =	ssyncadd.tile.s32 @!p0 $0x1;
	_ =	shalt  }
.Lfunc_end2:
_tile_overlayer_lowered:
.L_overlay_start_2:
0xb8: {  	(tag) =	ssettag $0x2  }
0xb9: {  	s0 =	rddreg [dreg:$0x0];
	s2 =	stileid.u32  }
0xba: {  	s1 =	rddreg [dreg:$0x1];
	p0 =	sne.s32 s2, $0x0  }
0xbb: {  	s3 =	rddreg [dreg:$0x2];
	[bflag:$0x3] =	sbarrier.arrive $0xFFFF;
	s2 =	simm.s32 @!p0 $0x1C05  }
0xbc: {  	[timem:s3], [sflag:s2] =	dma.local @!p0 [hbm:s0], s1  }
0xbd: {  	s0 =	simm.s32 @!p0 $0x5  }
0xbe: {  	_ =	swait.ge @!p0 [sflag:s0], s1  }
0xbf: {  	s1 =	ssub.s32 @!p0 $0x0, s1;
	[sflag:s0] =	ssyncset.done @!p0 $0x0  }
0xc0: {  	[sflag:s0] =	ssyncadd.s32 @!p0 s1  }
0xc1: {  	[bflag:$0x3] =	sbarrier.arrive $0xFFFF  }
0xc2: {  	_ =	shalt  }

// kernel: sparse-core-data-format-call.1.cloned.1.call-start
scs
called_computation.1_lowered:
.L_overlay_start_0:
0x0: {  	s2 =	sld [smem:$0x3FD9]  }
0x1: {  	s3 =	sld [smem:$0x3FFE];
	_ =	sdelay $0x1  }
0x2: {  	s1 =	srdreg.scid  }
0x3: {  	s0 =	sand.u32 $0x1, s1  }
0x4: {  	s15 =	sshll.u32 s0, $0xA;
	s2 =	sadd.s32 s3, s2  }
0x5: {  	s2 =	sadd.s32 s2, s15  }
0x6: {  	[smem:$0x3FC5] =	sst s2  }
0x7: {  	_ = 	snop  }
0x8: {  	s2 =	sld [smem:$0x3FD0];
	_ =	sdelay $0x2  }
0x9: {  	s16 =	simm.s32 $0xB;
	s4 =	simm.s32 $0x10  }
0xa: {  	[smem:s4], [sflag:s16] =	dma.local [hbm:s2], $0x1  }
0xb: {  	_ =	swait.eq [sflag:s16], $0x1  }
0xc: {  	[sflag:s16] =	ssyncset.done $0x0  }
0xd: {  	[sflag:s16] =	ssyncadd.s32 $0xFFFFFFFF  }
0xe: {  	s17 =	sld [smem:$0x10];
	(tm) =	ssettm $0x1  }
0xf: {  	s18 =	sld [smem:$0x3FFB];
	_ =	sdelay $0x3  }
0x10: {  	_ =	strace s18  }
0x11: {  	s3 =	sld [smem:$0x3FFC];
	_ =	sdelay $0x3  }
0x12: {  	_ =	strace s3  }
0x13: {  	s3 =	sld [smem:$0x3FFD];
	_ =	sdelay $0x3  }
0x14: {  	_ =	strace s3  }
0x15: {  	_ =	strace $0x8FFFFFFF  }
0x16: {  	s19 =	sld [smem:$0x3FDB];
	_ =	sdelay $0x1  }
0x17: {  	s20 =	simm.s32 $_scs_section_size  }
0x18: {  	s5 =	simm.s32 $_size__tile_overlayer_lowered;
	s6 =	simm.s32 $_tile_overlayer_lowered  }
0x19: {  	s23 =	simm.s32 $0x1BFF;
	s22 =	sshll.u32 s6, $0x1;
	s3 =	sadd.s32 s20, s19  }
0x1a: {  	s7 =	simm.s32 $0x0;
	s21 =	sshll.u32 s5, $0x1;
	s5 =	sadd.s32 s22, s3  }
0x1b: {  	[timem:s7], [sflag:s23] =	dma.local [hbm:s5], s21  }
0x1c: {  	_ =	swait.ge [sflag:s23], s21  }
0x1d: {  	s4 =	ssub.s32 $0x0, s21;
	[sflag:s23] =	ssyncset.done $0x0  }
0x1e: {  	[sflag:s23] =	ssyncadd.s32 s4;
	_ =	sdelay $0x1  }
0x1f: {  	s24 =	simm.s32 $0x1B8B  }
0x20: {  	_ =	swait.ge [sflag:s24], $0x1  }
0x21: {  	[sflag:s24] =	ssyncset.done $0x0  }
0x22: {  	s26 =	simm.s32 $0x1B8E;
	s25 =	sld [smem:$0x3FFE];
	[sflag:s24] =	ssyncadd.s32 $0xFFFFFFFF  }
0x23: {  	s27 =	simm.s32 $execute0_lowered;
	[smem:$0x3FD2] =	sst s26  }
0x24: {  	s5 =	sshll.u32 s27, $0x1;
	_ =	strace $0x8000004C;
	[dreg:$0x1] =	wrdreg $0xFFFFFFFF  }
0x25: {  	s28 =	simm.s32 $_size_execute0_lowered;
	s3 =	sadd.s32 s3, s5;
	[dreg:$0x0] =	wrdreg $0x0  }
0x26: {  	s5 =	sshll.u32 s28, $0x1;
	[dreg:$0x2] =	wrdreg s3  }
0x27: {  	[dreg:$0x3] =	wrdreg s5  }
0x28: {  	[dreg:$0x4] =	wrdreg $0xC0  }
0x29: {  	_ =	task [dreg:s7], $0x5FFFF  }
0x2a: {  	[dreg:$0x1] =	wrdreg $0xFFFFFFFF  }
0x2b: {  	[dreg:$0x0] =	wrdreg $0x60  }
0x2c: {  	[dreg:$0x2] =	wrdreg s25  }
0x2d: {  	[dreg:$0x3] =	wrdreg s17  }
0x2e: {  	[dreg:$0x4] =	wrdreg $0xA  }
0x2f: {  	_ =	task.clear_ibuf [dreg:s7], $0x5FFFF;
	_ =	strace $0x9000004C  }
0x30: {  	s29 =	simm.s32 $0xA;
	_ =	strace $0x8000004E  }
0x31: {  	_ =	swait.ge [sflag:s29], $0x1  }
0x32: {  	[sflag:s29] =	ssyncadd.s32 $0xFFFFFFFF  }
0x33: {  	_ =	strace $0x9000004E  }
0x34: {  	_ =	sfence  }
0x35: {  	s30 =	sld [smem:$0x0];
	_ =	sdelay $0x2  }
0x36: {  	s31 =	sshll.u32 s1, $0xD;
	s1 =	sshrl.u32 s1, $0x2  }
0x37: {  	s3 =	sand.u32 $0x4000, s31;
	s1 =	sadd.s32 s1, s30  }
0x38: {  	s0 =	sor.u32 s3, s0;
	s1 =	sshll.u32 s1, $0x11  }
0x39: {  	s0 =	sor.u32 s1, s0  }
0x3a: {  	s0 =	sadd.s32 $0x8F2B, s0  }
0x3b: {  	[sflag:s0] =	ssyncadd.remote.s32 $0x1  }
0x3c: {  	_ =	sfence.sel $0xFFFF  }
0x3d: {  	[dreg:$0x0] =	wrdreg $0xFFFFFFFF;
	(pc) =	sbr.abs _section_cstart, $3  }
0x3e: {  	[dreg:$0x1] =	wrdreg $0xFFFFFFFF  }
0x3f: {  	_ =	task.clear_ibuf [dreg:s7], $0x2FFFF;
	_ =	strace $0x9FFFFFFF  }
0x40: {  	(tm) =	ssettm $0x7FFFFFFF  }
0x41: {  	_ =	shalt  }
tec
execute0_lowered:
.L_overlay_start_1:
0x0: {  	(tag) =	ssettag $0x1  }
0x1: {  	s0 =	srdreg.scid  }
0x2: {  	s1 =	sshll.u32 s0, $0x4  }
0x3: {  	s0 =	stileid.u32;
	s1 =	sand.u32 $0x10, s1  }
0x4: {  	s1 =	sor.u32 s0, s1  }
0x5: {  	s6 =	rddreg [dreg:$0x0];
	s4 =	simm.s32 $0x1;
	s2 =	sshll.u32 s1, $0x7  }
0x6: {  	s7 =	simm.s32 $0x2;
	s12 =	simm.s32 $0x0;
	s1 =	ssub.s32 $0x4000, s2  }
0x7: {  	s8 =	simm.s32 $0x20000;
	s13 =	simm.s32 $0x0;
	s3 =	sand.u32 $0xF80, s1  }
0x8: {  	s9 =	simm.s32 $0x0;
	s5 =	sshrl.u32 s1, $0xC;
	p0 =	sne.s32 s3, $0x0  }
.Ltmp0:
0x9: {  	s1 =	rddreg [dreg:$0x2];
	s4 =	simm.s32 @!p0 $0x0;
	(pc) =	sbr.rel .LBB1_1-.Ltmp0, $4  }
0xa: {  	s11 =	simm.s32 $0x0;
	s3 =	rddreg [dreg:$0x1];
	s5 =	sadd.s32 s4, s5  }
0xb: {  	_ =	strace $0x8000004D;
	s4 =	simm.s32 $0x1;
	s5 =	smul.u32 $0xC8, s5  }
0xc: {  	s6 =	sadd.s32 $0x1600, s6;
	s10 =	smov.u32 s2;
	[sflag:s4] =	ssyncpa.u1 $0x0  }
0xd: {  	p0 =	por $0x0, $0x0;
	[sflag:s7] =	ssyncpa.u1 $0x0;
	s7 =	sor.u32 $0x1, s5  }
.LBB1_4:
0xe: {  	s16 =	sshll.u32 s13, $0x3;
	s17 =	sand.u32 $0x78, s13  }
0xf: {  	s30 =	sand.u32 $0x7800, s13;
	s12 =	sshll.u32 s12, $0xF;
	s16 =	sand.u32 $0x3C00, s16  }
0x10: {  	s31 =	sand.u32 $0x7, s13;
	s16 =	sor.u32 s17, s16;
	s17 =	sadd.s32 s3, s30  }
0x11: {  	s13 =	sshll.u32 s31, $0x12;
	s16 =	sshrl.u32 s16, $0x3;
	s12 =	sadd.s32 s12, s17  }
0x12: {  	[tilespmem:s15+$0x0 ss:$0x81] =	vst.msk $0xffff, v1;
	s13 =	sor.u32 $0x400, s13;
	s12 =	sadd.s32 s16, s12  }
0x13: {  	[hbm4b:s12+s13] =	stream.strided.scatter [tilespmem:s14], [sflag:$0x2], $0x800, s8, s13, $0x20;
	[tilespmem:$0x2020] =	vst v63  }
.LBB1_5:
0x14: {  	s14 =	sadd.s32 $0x1, s9  }
0x15: {  	s12 =	sadd.s32 $0x1000, s10;
	s16 =	smov.u32 s10;
	p2 =	sgt.s32 s14, $0xC7  }
0x16: {  	s16 =	smov.u32 @p2 s12  }
0x17: {  	s14 =	simm.s32 @p2 $0x0;
	p2 =	sgt.s32 s16, $0x3FFF  }
0x18: {  	s16 =	smov.u32 @p2 s2;
	p2 =	sne.s32 s11, s7  }
.Ltmp1:
0x19: {  	p1 =	slt.u32 s11, $0x2;
	(pc) =	sbr.rel @!p2 .LBB1_6-.Ltmp1, $4  }
0x1a: {  	s15 =	simm.s32 @!p1 $0x2  }
0x1b: {  	s13 =	smov.u32 s10;
	p0 =	por !p0, !p0;
	_ =	swait.ge @!p1 [sflag:s15], $0x800  }
0x1c: {  	s12 =	smov.u32 s9;
	[sflag:s15] =	ssyncset.done @!p1 $0x0;
	s9 =	smov.u32 s14  }
0x1d: {  	s11 =	sadd.s32 $0x1, s11;
	[sflag:s15] =	ssyncadd.s32 @!p1 $0xFFFFF800;
	s10 =	smov.u32 s16  }
.LBB1_1:
0x1e: {  	p1 =	sge.u32 s11, s5  }
0x1f: {  	s14 =	sand.u32 @!p1 $0x1FFFFFF, s9  }
0x20: {  	s15 =	smulhi.u32 @!p1 $0x147AE15, s14;
	_ =	sdelay $0x1  }
0x21: {  	s15 =	smul.u32 @!p1 $0xC8, s15  }
0x22: {  	s16 =	sxor.u32 @!p1 $0xFFFFFFFF, s11;
	s17 =	smul.u32 @!p1 $0xC80, s10  }
0x23: {  	s31 =	sadd.s32 $0xFFFFFFFF, s11;
	s16 =	sshll.u32 @!p1 s16, $0xB;
	s14 =	ssub.s32 @!p1 s14, s15  }
0x24: {  	s15 =	sand.u32 @!p1 $0x800, s16;
	s16 =	sadd.s32 @!p1 s6, s17;
	s14 =	sshll.u32 @!p1 s14, $0x4  }
0x25: {  	s17 =	simm.s32 @!p1 $0x6400;
	s14 =	sadd.s32 @!p1 s14, s16;
	s16 =	simm.s32 @!p1 $0x10  }
0x26: {  	[tilespmem:s15], [sflag:$0x1] =	stream.strided.gather @!p1 [hbm4b:s14+s16], $0x800, s17, s16, $0x38;
	[tilespmem:$0x2020] =	vst v63  }
0x27: {  	p1 =	sge.u32 s31, s5  }
.Ltmp2:
0x28: {  	_ = 	snop;
	(pc) =	sbr.rel @p1 .LBB1_5-.Ltmp2, $1  }
0x29: {  	_ =	sdelay $0x3  }
0x2a: {  	s14 =	simm.s32 $0x1  }
0x2b: {  	s14 =	simm.s32 @!p0 $0x0  }
0x2c: {  	s15 =	sshll.u32 s14, $0xB  }
0x2d: {  	v0 =	vmov s15;
	_ =	sdelay $0x1  }
0x2e: {  	_ =	swait.ge [sflag:s4], $0x800  }
0x2f: {  	s31 =	sand.u32 $0x1, s11;
	[sflag:s4] =	ssyncset.done $0x0  }
0x30: {  	s17 =	simm.s32 $0x0;
	s14 =	smul.u32 $0x2040, s14;
	[sflag:s4] =	ssyncadd.s32 $0xFFFFF800  }
0x31: {  	s15 =	smul.u32 $0x2040, s31;
	v1 =	vld.idx.msk [tilespmem:v0+s17+$0x0 ss:$0x1], $0xffff;
	_ =	sdelay $0x1  }
0x32: {  	s14 =	sshrl.u32 s14, $0x2;
	s16 =	sshrl.u32 s15, $0x2  }
0x33: {  	s15 =	sor.u32 $0x1000, s14;
	s14 =	sor.u32 $0x1000, s16;
	s16 =	simm.s32 $0x40  }
.LBB1_3:
0x34: {  	s17 =	sshra.s32 s16, $0x2;
	p1 =	sne.s32 s16, $0x1FC0;
	s16 =	sadd.s32 $0x40, s16  }
.Ltmp3:
0x35: {  	[tilespmem:s15+$0x0 ss:$0x81] =	vst.msk $0xffff, v1;
	v1 =	vld.idx.msk [tilespmem:v0+s17+$0x0 ss:$0x1], $0xffff;
	(pc) =	sbr.rel @p1 .LBB1_3-.Ltmp3, $2  }
0x36: {  	_ =	sdelay $0x2  }
0x37: {  	s15 =	sadd.s32 $0x1, s15  }
.Ltmp4:
0x38: {  	_ = 	snop;
	(pc) =	sbr.rel .LBB1_4-.Ltmp4, $1  }
0x39: {  	_ =	sdelay $0x3  }
.LBB1_6:
0x3a: {  	_ =	sfence.sel $0x180000  }
0x3b: {  	s2 =	simm.s32 $0x1;
	[bflag:$0x0] =	sbarrier.arrive $0xFFFF  }
0x3c: {  	s31 =	simm.s32 $0x2;
	[sflag:s2] =	ssyncpa.u1 $0x1  }
0x3d: {  	[sflag:s31] =	ssyncpa.u1 $0x1  }
0x3e: {  	p0 =	sne.s32 s0, $0x0;
	_ =	strace $0x9000004D  }
0x3f: {  	s0 =	sadd.s32 @!p0 $0x100000, s1;
	[bflag:$0x2] =	sbarrier.arrive $0xFFFF  }
0x40: {  	[sflag:s0] =	ssyncadd.tile.s32 @!p0 $0x1;
	_ =	shalt  }
.Lfunc_end1:
_tile_overlayer_lowered:
.L_overlay_start_2:
0x41: {  	(tag) =	ssettag $0x2  }
0x42: {  	s0 =	rddreg [dreg:$0x0];
	s2 =	stileid.u32  }
0x43: {  	s1 =	rddreg [dreg:$0x1];
	p0 =	sne.s32 s2, $0x0  }
0x44: {  	s3 =	rddreg [dreg:$0x2];
	[bflag:$0x3] =	sbarrier.arrive $0xFFFF;
	s2 =	simm.s32 @!p0 $0x1C01  }
0x45: {  	[timem:s3], [sflag:s2] =	dma.local @!p0 [hbm:s0], s1  }
0x46: {  	s0 =	simm.s32 @!p0 $0x1  }
0x47: {  	_ =	swait.ge @!p0 [sflag:s0], s1  }
0x48: {  	s1 =	ssub.s32 @!p0 $0x0, s1;
	[sflag:s0] =	ssyncset.done @!p0 $0x0  }
0x49: {  	[sflag:s0] =	ssyncadd.s32 @!p0 s1  }
0x4a: {  	[bflag:$0x3] =	sbarrier.arrive $0xFFFF  }
0x4b: {  	_ =	shalt  }

// kernel: sparse-core-data-format-call.2.cloned.1.call-start
scs
called_computation.2_lowered:
.L_overlay_start_0:
0x0: {  	s2 =	sld [smem:$0x3FD9]  }
0x1: {  	s3 =	sld [smem:$0x3FFE];
	_ =	sdelay $0x1  }
0x2: {  	s1 =	srdreg.scid  }
0x3: {  	s0 =	sand.u32 $0x1, s1  }
0x4: {  	s15 =	sshll.u32 s0, $0xA;
	s2 =	sadd.s32 s3, s2  }
0x5: {  	s2 =	sadd.s32 s2, s15  }
0x6: {  	[smem:$0x3FC5] =	sst s2  }
0x7: {  	_ = 	snop  }
0x8: {  	s2 =	sld [smem:$0x3FD0];
	_ =	sdelay $0x2  }
0x9: {  	s16 =	simm.s32 $0xB;
	s4 =	simm.s32 $0x10  }
0xa: {  	[smem:s4], [sflag:s16] =	dma.local [hbm:s2], $0x1  }
0xb: {  	_ =	swait.eq [sflag:s16], $0x1  }
0xc: {  	[sflag:s16] =	ssyncset.done $0x0  }
0xd: {  	[sflag:s16] =	ssyncadd.s32 $0xFFFFFFFF  }
0xe: {  	s17 =	sld [smem:$0x10];
	(tm) =	ssettm $0x1  }
0xf: {  	s18 =	sld [smem:$0x3FFB];
	_ =	sdelay $0x3  }
0x10: {  	_ =	strace s18  }
0x11: {  	s3 =	sld [smem:$0x3FFC];
	_ =	sdelay $0x3  }
0x12: {  	_ =	strace s3  }
0x13: {  	s3 =	sld [smem:$0x3FFD];
	_ =	sdelay $0x3  }
0x14: {  	_ =	strace s3  }
0x15: {  	_ =	strace $0x8FFFFFFF  }
0x16: {  	s19 =	sld [smem:$0x3FDB];
	_ =	sdelay $0x1  }
0x17: {  	s20 =	simm.s32 $_scs_section_size  }
0x18: {  	s5 =	simm.s32 $_size__tile_overlayer_lowered;
	s6 =	simm.s32 $_tile_overlayer_lowered  }
0x19: {  	s23 =	simm.s32 $0x1BFF;
	s22 =	sshll.u32 s6, $0x1;
	s3 =	sadd.s32 s20, s19  }
0x1a: {  	s7 =	simm.s32 $0x0;
	s21 =	sshll.u32 s5, $0x1;
	s5 =	sadd.s32 s22, s3  }
0x1b: {  	[timem:s7], [sflag:s23] =	dma.local [hbm:s5], s21  }
0x1c: {  	_ =	swait.ge [sflag:s23], s21  }
0x1d: {  	s4 =	ssub.s32 $0x0, s21;
	[sflag:s23] =	ssyncset.done $0x0  }
0x1e: {  	[sflag:s23] =	ssyncadd.s32 s4;
	_ =	sdelay $0x1  }
0x1f: {  	s24 =	simm.s32 $0x1B8B  }
0x20: {  	_ =	swait.ge [sflag:s24], $0x1  }
0x21: {  	[sflag:s24] =	ssyncset.done $0x0  }
0x22: {  	s26 =	simm.s32 $0x1B8E;
	s25 =	sld [smem:$0x3FFE];
	[sflag:s24] =	ssyncadd.s32 $0xFFFFFFFF  }
0x23: {  	s27 =	simm.s32 $execute0_lowered;
	[smem:$0x3FD2] =	sst s26  }
0x24: {  	s5 =	sshll.u32 s27, $0x1;
	_ =	strace $0x80000046;
	[dreg:$0x1] =	wrdreg $0xFFFFFFFF  }
0x25: {  	s28 =	simm.s32 $_size_execute0_lowered;
	s3 =	sadd.s32 s3, s5;
	[dreg:$0x0] =	wrdreg $0x0  }
0x26: {  	s5 =	sshll.u32 s28, $0x1;
	[dreg:$0x2] =	wrdreg s3  }
0x27: {  	[dreg:$0x3] =	wrdreg s5  }
0x28: {  	[dreg:$0x4] =	wrdreg $0xC0  }
0x29: {  	_ =	task [dreg:s7], $0x5FFFF  }
0x2a: {  	[dreg:$0x1] =	wrdreg $0xFFFFFFFF  }
0x2b: {  	[dreg:$0x0] =	wrdreg $0x60  }
0x2c: {  	[dreg:$0x2] =	wrdreg s17  }
0x2d: {  	[dreg:$0x3] =	wrdreg s25  }
0x2e: {  	[dreg:$0x4] =	wrdreg $0x9  }
0x2f: {  	_ =	task.clear_ibuf [dreg:s7], $0x5FFFF;
	_ =	strace $0x90000046  }
0x30: {  	s29 =	simm.s32 $0x9;
	_ =	strace $0x80000048  }
0x31: {  	_ =	swait.ge [sflag:s29], $0x1  }
0x32: {  	[sflag:s29] =	ssyncadd.s32 $0xFFFFFFFF  }
0x33: {  	_ =	strace $0x90000048  }
0x34: {  	_ =	sfence  }
0x35: {  	s30 =	sld [smem:$0x0];
	_ =	sdelay $0x2  }
0x36: {  	s31 =	sshll.u32 s1, $0xD;
	s1 =	sshrl.u32 s1, $0x2  }
0x37: {  	s3 =	sand.u32 $0x4000, s31;
	s1 =	sadd.s32 s1, s30  }
0x38: {  	s0 =	sor.u32 s3, s0;
	s1 =	sshll.u32 s1, $0x11  }
0x39: {  	s0 =	sor.u32 s1, s0  }
0x3a: {  	s0 =	sadd.s32 $0x8F2B, s0  }
0x3b: {  	[sflag:s0] =	ssyncadd.remote.s32 $0x1  }
0x3c: {  	_ =	sfence.sel $0xFFFF  }
0x3d: {  	[dreg:$0x0] =	wrdreg $0xFFFFFFFF;
	(pc) =	sbr.abs _section_cstart, $3  }
0x3e: {  	[dreg:$0x1] =	wrdreg $0xFFFFFFFF  }
0x3f: {  	_ =	task.clear_ibuf [dreg:s7], $0x2FFFF;
	_ =	strace $0x9FFFFFFF  }
0x40: {  	(tm) =	ssettm $0x7FFFFFFF  }
0x41: {  	_ =	shalt  }
tec
execute0_lowered:
.L_overlay_start_1:
0x0: {  	(tag) =	ssettag $0x1  }
0x1: {  	s0 =	srdreg.scid;
	s2 =	rddreg [dreg:$0x0]  }
0x2: {  	s5 =	rddreg [dreg:$0x1];
	s1 =	stileid.u32  }
0x3: {  	s4 =	simm.s32 $0x1;
	s6 =	simm.s32 $0x2;
	s15 =	simm.s32 $0x0  }
0x4: {  	p0 =	por $0x0, $0x0;
	s8 =	simm.s32 $0x80;
	s0 =	sshll.u32 s0, $0x4  }
0x5: {  	s14 =	simm.s32 $0x0;
	s9 =	simm.s32 $0x0;
	s3 =	sand.u32 $0x10, s0  }
.Ltmp0:
0x6: {  	s10 =	simm.s32 $0x0;
	s3 =	sor.u32 s1, s3;
	(pc) =	sbr.rel .LBB1_1-.Ltmp0, $4  }
0x7: {  	s0 =	rddreg [dreg:$0x2];
	_ =	strace $0x80000047;
	s3 =	sshll.u32 s3, $0x7  }
0x8: {  	s12 =	simm.s32 $0x0;
	[sflag:s4] =	ssyncpa.u1 $0x0;
	s7 =	ssub.s32 $0xF4200, s3  }
0x9: {  	s13 =	simm.s32 $0x0;
	[sflag:s6] =	ssyncpa.u1 $0x0;
	s6 =	sshrl.u32 s7, $0xC  }
0xa: {  	s5 =	sadd.s32 $0x1600, s5;
	s11 =	smov.u32 s3;
	s7 =	sadd.s32 $0x2, s6  }
.LBB1_5:
0xb: {  	p1 =	slt.u32 s13, $0x2  }
0xc: {  	s17 =	smov.u32 s15;
	p2 =	sgt.s32 @!p1 s15, $0xF41C0;
	s16 =	sshra.s32 @!p1 s15, $0x1F  }
0xd: {  	p3 =	sgt.s32 @!p1 s14, $0x60;
	s18 =	sshra.s32 @!p1 s14, $0x1F;
	p2 =	por !p2, p1  }
0xe: {  	s15 =	sand.u32 @!p1 s16, s15;
	p3 =	por !p3, p1;
	s16 =	smov.u32 s14  }
0xf: {  	s14 =	sand.u32 @!p1 s18, s14;
	s17 =	simm.s32 @p2 $0xF41C0;
	s16 =	simm.s32 @p3 $0x60  }
0x10: {  	s15 =	ssub.s32 @!p1 s17, s15;
	s14 =	ssub.s32 @!p1 s16, s14  }
0x11: {  	s18 =	smov.u32 s12;
	s16 =	sadd.s32 @!p1 $0xFFF0BE40, s15;
	s17 =	sadd.s32 @!p1 $0xFFFFFFA0, s14  }
0x12: {  	s15 =	ssub.s32 @!p1 $0xF4240, s15;
	p2 =	sgt.s32 @!p1 s16, $0x7F;
	p3 =	sgt.s32 @!p1 s17, $0x1F  }
0x13: {  	s14 =	ssub.s32 @!p1 $0x80, s14;
	p2 =	por !p2, p1;
	p3 =	por !p3, p1  }
0x14: {  	s16 =	sadd.s32 $0x1000, s11;
	s15 =	simm.s32 @!p2 $0x0;
	s14 =	simm.s32 @!p3 $0x0  }
0x15: {  	p2 =	sgt.s32 s16, $0xF423F;
	s14 =	smul.u32 @!p1 s14, s15;
	s15 =	sadd.s32 $0x20, s12  }
0x16: {  	s18 =	smov.u32 @p2 s15  }
0x17: {  	s16 =	smov.u32 @p2 s3;
	p2 =	sgt.s32 s18, $0x1F  }
0x18: {  	s18 =	simm.s32 @p2 $0x0;
	p2 =	sne.s32 s13, s7  }
.Ltmp1:
0x19: {  	p0 =	por !p0, !p0;
	s17 =	simm.s32 @!p1 $0x2;
	(pc) =	sbr.rel @!p2 .LBB1_6-.Ltmp1, $4  }
0x1a: {  	s15 =	smov.u32 s9;
	s9 =	smov.u32 s11;
	s14 =	sand.u32 @!p1 $0x3FFFFFFF, s14  }
0x1b: {  	s11 =	smov.u32 s16;
	_ =	swait.ge @!p1 [sflag:s17], s14;
	s19 =	ssub.s32 @!p1 $0x0, s14  }
0x1c: {  	s14 =	smov.u32 s10;
	s13 =	sadd.s32 $0x1, s13;
	[sflag:s17] =	ssyncset.done @!p1 $0x0  }
0x1d: {  	s10 =	smov.u32 s12;
	s12 =	smov.u32 s18;
	[sflag:s17] =	ssyncadd.s32 @!p1 s19  }
.LBB1_1:
0x1e: {  	p1 =	sgt.u32 s13, s6  }
0x1f: {  	s16 =	sshrl.u32 @!p1 s12, $0x3  }
0x20: {  	s17 =	sshll.u32 @!p1 s11, $0x3;
	s16 =	smul.u32 @!p1 $0x7A1400, s16  }
0x21: {  	s18 =	sshll.u32 @!p1 s12, $0x7;
	s17 =	sand.u32 @!p1 $0xFFFFFC00, s17  }
0x22: {  	s16 =	sadd.s32 @!p1 s16, s17;
	s17 =	sand.u32 @!p1 $0x380, s18  }
0x23: {  	s18 =	sand.u32 @!p1 $0x7F, s11;
	s16 =	sor.u32 @!p1 s17, s16  }
0x24: {  	s17 =	sor.u32 @!p1 s18, s16  }
0x25: {  	s18 =	smulhi.u32 @!p1 $0x218D6287, s17;
	_ =	sdelay $0x1  }
0x26: {  	s16 =	smulhi.u32 @!p1 $0x218D6287, s16;
	s18 =	sshrl.u32 @!p1 s18, $0x11  }
0x27: {  	s18 =	smul.u32 @!p1 $0xF4280, s18  }
0x28: {  	s19 =	sxor.u32 @!p1 $0xFFFFFFFF, s13;
	s16 =	sshrl.u32 @!p1 s16, $0x11  }
0x29: {  	s19 =	sshll.u32 @!p1 s19, $0xC;
	s16 =	sand.u32 @!p1 $0x1F, s16;
	s17 =	ssub.s32 @!p1 s17, s18  }
0x2a: {  	s16 =	smul.u32 @!p1 $0x1E850, s16;
	s18 =	sshrl.u32 @!p1 s17, $0x3;
	s17 =	sand.u32 @!p1 $0x7, s17  }
0x2b: {  	s19 =	sand.u32 @!p1 $0x1000, s19;
	s18 =	sadd.s32 @!p1 s2, s18;
	s17 =	sshll.u32 @!p1 s17, $0x12  }
0x2c: {  	s16 =	sadd.s32 @!p1 s16, s18;
	s17 =	sor.u32 @!p1 $0x400, s17;
	s18 =	simm.s32 @!p1 $0x7A1400  }
0x2d: {  	[tilespmem:s19], [sflag:$0x1] =	stream.strided.gather @!p1 [hbm4b:s16+s17], $0x1000, s18, s17, $0x38;
	[tilespmem:$0x4100] =	vst v63  }
0x2e: {  	p1 =	seq.s32 s13, $0x0  }
0x2f: {  	p2 =	sge.u32 @!p1 s13, s7  }
0x30: {  	p1 =	por p1, p2  }
.Ltmp2:
0x31: {  	_ = 	snop;
	(pc) =	sbr.rel @p1 .LBB1_5-.Ltmp2, $1  }
0x32: {  	_ =	sdelay $0x3  }
0x33: {  	s16 =	simm.s32 $0x1  }
0x34: {  	_ =	swait.ge [sflag:s4], $0x1000;
	s16 =	simm.s32 @!p0 $0x0  }
0x35: {  	[sflag:s4] =	ssyncset.done $0x0;
	s17 =	sshll.u32 s16, $0xC  }
0x36: {  	[sflag:s4] =	ssyncadd.s32 $0xFFFFF000;
	s17 =	sor.u32 $0x40, s17  }
0x37: {  	s16 =	smul.u32 $0x4200, s16;
	v0 =	vld [tilespmem:s17+$0x30]  }
0x38: {  	v1 =	vld [tilespmem:s17+$0xFFFFFFD0]  }
0x39: {  	s16 =	sshrl.u32 s16, $0x2;
	v5 =	vld [tilespmem:s17+$0xFFFFFFE0]  }
0x3a: {  	v6 =	vld [tilespmem:s17+$0xFFFFFFF0];
	s19 =	sor.u32 $0x2000, s16  }
0x3b: {  	s31 =	sand.u32 $0x1, s13;
	v4 =	vld [tilespmem:s17+$0x0];
	s18 =	sadd.s32 $0x0, s19  }
0x3c: {  	v3 =	vld [tilespmem:s17+$0x10];
	s16 =	smul.u32 $0x4200, s31;
	[tilespmem:s18+$0xE70 ss:$0x21] =	vst.msk $0xffff, v0  }
0x3d: {  	v2 =	vld [tilespmem:s17+$0x20];
	[tilespmem:s18+$0x210 ss:$0x21] =	vst.msk $0xffff, v1  }
0x3e: {  	s16 =	sshrl.u32 s16, $0x2;
	v1 =	vld [tilespmem:s17+$0xFFFFFFC0];
	[tilespmem:s18+$0x420 ss:$0x21] =	vst.msk $0xffff, v5;
	s17 =	sadd.s32 $0x80, s17  }
0x3f: {  	s20 =	simm.s32 $0x4;
	s21 =	simm.s32 $0x8;
	s16 =	sor.u32 $0x2000, s16;
	[tilespmem:s18+$0x630 ss:$0x21] =	vst.msk $0xffff, v6;
	v0 =	vld [tilespmem:s17+$0x30]  }
.LBB1_3:
0x40: {  	p1 =	sne.s32 s21, $0x7C;
	v5 =	vld [tilespmem:s17+$0xFFFFFFD0];
	[tilespmem:s18+$0x840 ss:$0x21] =	vst.msk $0xffff, v4  }
0x41: {  	v6 =	vld [tilespmem:s17+$0xFFFFFFE0];
	[tilespmem:s18+$0xA50 ss:$0x21] =	vst.msk $0xffff, v3  }
0x42: {  	s22 =	sshra.s32 s20, $0x2;
	s20 =	smov.u32 s21;
	v7 =	vld [tilespmem:s17+$0xFFFFFFF0];
	[tilespmem:s18+$0xC60 ss:$0x21] =	vst.msk $0xffff, v2  }
.Ltmp3:
0x43: {  	v4 =	vld [tilespmem:s17+$0x0];
	[tilespmem:s18+$0x0 ss:$0x21] =	vst.msk $0xffff, v1;
	s18 =	sadd.s32 s22, s19;
	(pc) =	sbr.rel @p1 .LBB1_3-.Ltmp3, $4  }
0x44: {  	v3 =	vld [tilespmem:s17+$0x10];
	[tilespmem:s18+$0xE70 ss:$0x21] =	vst.msk $0xffff, v0  }
0x45: {  	[tilespmem:s18+$0x210 ss:$0x21] =	vst.msk $0xffff, v5;
	v2 =	vld [tilespmem:s17+$0x20]  }
0x46: {  	v1 =	vld [tilespmem:s17+$0xFFFFFFC0];
	[tilespmem:s18+$0x420 ss:$0x21] =	vst.msk $0xffff, v6;
	s17 =	sadd.s32 $0x80, s17  }
0x47: {  	s21 =	sadd.s32 $0x4, s21;
	v0 =	vld [tilespmem:s17+$0x30];
	[tilespmem:s18+$0x630 ss:$0x21] =	vst.msk $0xffff, v7  }
0x48: {  	s21 =	sshll.u32 s9, $0x7;
	s22 =	sshll.u32 s10, $0x3;
	s20 =	sshra.s32 s20, $0x2  }
0x49: {  	p1 =	sgt.s32 s9, $0xF41C0;
	s30 =	sshra.s32 s9, $0x1F;
	s25 =	sshra.s32 s10, $0x1F  }
0x4a: {  	v5 =	vld [tilespmem:s17+$0xFFFFFFD0];
	s28 =	sshrl.u32 s10, $0x3;
	s23 =	sand.u32 $0xFFFFFC00, s21;
	s22 =	sand.u32 $0xFFFFFC00, s22  }
0x4b: {  	[tilespmem:s18+$0x840 ss:$0x21] =	vst.msk $0xffff, v4;
	v58 =	vld [tilespmem:s17+$0xFFFFFFE0];
	s21 =	sand.u32 $0x380, s21;
	s19 =	sadd.s32 s20, s19;
	s22 =	sadd.s32 s22, s23  }
0x4c: {  	v59 =	vld [tilespmem:s17+$0xFFFFFFF0];
	[tilespmem:s18+$0xA50 ss:$0x21] =	vst.msk $0xffff, v3;
	s29 =	sor.u32 s21, s22;
	s21 =	smov.u32 s9;
	s22 =	sand.u32 s30, s9  }
0x4d: {  	v60 =	vld [tilespmem:s17+$0x0];
	[tilespmem:s18+$0xC60 ss:$0x21] =	vst.msk $0xffff, v2;
	s30 =	sand.u32 $0x7, s10;
	s20 =	sshrl.u32 s29, $0x7;
	s21 =	simm.s32 @!p1 $0xF41C0  }
0x4e: {  	v61 =	vld [tilespmem:s17+$0x10];
	[tilespmem:s18+$0x0 ss:$0x21] =	vst.msk $0xffff, v1;
	p1 =	sgt.s32 s10, $0x60;
	s24 =	ssub.s32 s21, s22;
	s21 =	smov.u32 s10  }
0x4f: {  	v62 =	vld [tilespmem:s17+$0x20];
	[tilespmem:s19+$0xE70 ss:$0x21] =	vst.msk $0xffff, v0;
	s31 =	smulhi.u32 $0x218DEF5, s20;
	s22 =	sand.u32 s25, s10;
	s21 =	simm.s32 @!p1 $0x60  }
0x50: {  	v63 =	vld [tilespmem:s17+$0xFFFFFFC0];
	[tilespmem:s19+$0x210 ss:$0x21] =	vst.msk $0xffff, v5;
	s26 =	sadd.s32 $0xFFF0BE40, s24;
	s17 =	ssub.s32 $0xF4240, s24;
	s21 =	ssub.s32 s21, s22  }
0x51: {  	[tilespmem:s19+$0x420 ss:$0x21] =	vst.msk $0xffff, v58;
	s23 =	sshrl.u32 s31, $0xD;
	p1 =	sgt.s32 s26, $0x7F;
	s27 =	sadd.s32 $0xFFFFFFA0, s21  }
0x52: {  	[tilespmem:s19+$0x630 ss:$0x21] =	vst.msk $0xffff, v59;
	s23 =	smul.u32 $0xF4240, s23;
	s18 =	ssub.s32 $0x80, s21;
	p2 =	sgt.s32 s27, $0x1F  }
.Ltmp4:
0x53: {  	[tilespmem:s19+$0x840 ss:$0x21] =	vst.msk $0xffff, v60;
	s17 =	simm.s32 @p1 $0x0;
	s18 =	simm.s32 @p2 $0x0;
	(pc) =	sbr.rel .LBB1_5-.Ltmp4, $4  }
0x54: {  	s29 =	sand.u32 $0xF, s28;
	[tilespmem:s19+$0xA50 ss:$0x21] =	vst.msk $0xffff, v61;
	s20 =	ssub.s32 s20, s23;
	s17 =	smul.u32 s18, s17  }
0x55: {  	[tilespmem:s19+$0xC60 ss:$0x21] =	vst.msk $0xffff, v62;
	s21 =	sshll.u32 s30, $0x12;
	s20 =	sshll.u32 s20, $0x4;
	s18 =	sadd.s32 s5, s29  }
0x56: {  	[tilespmem:s19+$0x0 ss:$0x21] =	vst.msk $0xffff, v63;
	s31 =	sor.u32 $0x20, s21;
	s18 =	sadd.s32 s20, s18;
	s17 =	sand.u32 $0x3FFFFFFF, s17  }
0x57: {  	[hbm4b:s18+s31] =	stream.strided.scatter [tilespmem:s16], [sflag:$0x2], s17, s8, s31, $0x10;
	[tilespmem:$0x4100] =	vst v63  }
.LBB1_6:
0x58: {  	_ =	sfence.sel $0x180000  }
0x59: {  	s2 =	simm.s32 $0x1;
	[bflag:$0x0] =	sbarrier.arrive $0xFFFF  }
0x5a: {  	s31 =	simm.s32 $0x2;
	[sflag:s2] =	ssyncpa.u1 $0x1  }
0x5b: {  	[sflag:s31] =	ssyncpa.u1 $0x1  }
0x5c: {  	p0 =	sne.s32 s1, $0x0;
	_ =	strace $0x90000047  }
0x5d: {  	s0 =	sadd.s32 @!p0 $0x100000, s0;
	[bflag:$0x2] =	sbarrier.arrive $0xFFFF  }
0x5e: {  	[sflag:s0] =	ssyncadd.tile.s32 @!p0 $0x1;
	_ =	shalt  }
.Lfunc_end1:
_tile_overlayer_lowered:
.L_overlay_start_2:
0x5f: {  	(tag) =	ssettag $0x2  }
0x60: {  	s0 =	rddreg [dreg:$0x0];
	s2 =	stileid.u32  }
0x61: {  	s1 =	rddreg [dreg:$0x1];
	p0 =	sne.s32 s2, $0x0  }
0x62: {  	s3 =	rddreg [dreg:$0x2];
	[bflag:$0x3] =	sbarrier.arrive $0xFFFF;
	s2 =	simm.s32 @!p0 $0x1C01  }
0x63: {  	[timem:s3], [sflag:s2] =	dma.local @!p0 [hbm:s0], s1  }
0x64: {  	s0 =	simm.s32 @!p0 $0x1  }
0x65: {  	_ =	swait.ge @!p0 [sflag:s0], s1  }
0x66: {  	s1 =	ssub.s32 @!p0 $0x0, s1;
	[sflag:s0] =	ssyncset.done @!p0 $0x0  }
0x67: {  	[sflag:s0] =	ssyncadd.s32 @!p0 s1  }
0x68: {  	[bflag:$0x3] =	sbarrier.arrive $0xFFFF  }
0x69: {  	_ =	shalt  }

// kernel: sparse-core-data-format-call.cloned.1.call-start
scs
called_computation_lowered:
.L_overlay_start_0:
0x0: {  	s2 =	sld [smem:$0x3FD9]  }
0x1: {  	s3 =	sld [smem:$0x3FFE];
	_ =	sdelay $0x1  }
0x2: {  	s1 =	srdreg.scid  }
0x3: {  	s0 =	sand.u32 $0x1, s1  }
0x4: {  	s16 =	sshll.u32 s0, $0xA;
	s2 =	sadd.s32 s3, s2  }
0x5: {  	s2 =	sadd.s32 s2, s16  }
0x6: {  	[smem:$0x3FC5] =	sst s2  }
0x7: {  	_ = 	snop  }
0x8: {  	s2 =	sld [smem:$0x3FD0];
	_ =	sdelay $0x2  }
0x9: {  	s17 =	simm.s32 $0xB;
	s4 =	simm.s32 $0x10  }
0xa: {  	[smem:s4], [sflag:s17] =	dma.local [hbm:s2], $0x1  }
0xb: {  	_ =	swait.eq [sflag:s17], $0x1  }
0xc: {  	[sflag:s17] =	ssyncset.done $0x0  }
0xd: {  	[sflag:s17] =	ssyncadd.s32 $0xFFFFFFFF  }
0xe: {  	s18 =	sld [smem:$0x12];
	(tm) =	ssettm $0x1  }
0xf: {  	s19 =	sld [smem:$0x3FFB];
	_ =	sdelay $0x3  }
0x10: {  	_ =	strace s19  }
0x11: {  	s2 =	sld [smem:$0x3FFC];
	_ =	sdelay $0x3  }
0x12: {  	_ =	strace s2  }
0x13: {  	s2 =	sld [smem:$0x3FFD];
	_ =	sdelay $0x3  }
0x14: {  	_ =	strace s2  }
0x15: {  	_ =	strace $0x8FFFFFFF  }
0x16: {  	s20 =	sld [smem:$0x3FDB];
	_ =	sdelay $0x1  }
0x17: {  	s21 =	simm.s32 $_scs_section_size  }
0x18: {  	s5 =	simm.s32 $_size__tile_overlayer_lowered;
	s6 =	simm.s32 $_tile_overlayer_lowered  }
0x19: {  	s7 =	simm.s32 $0x1BFF;
	s22 =	sshll.u32 s6, $0x1;
	s4 =	sadd.s32 s21, s20  }
0x1a: {  	s23 =	simm.s32 $0x0;
	s5 =	sshll.u32 s5, $0x1;
	s6 =	sadd.s32 s22, s4  }
0x1b: {  	[timem:s23], [sflag:s7] =	dma.local [hbm:s6], s5  }
0x1c: {  	_ =	swait.ge [sflag:s7], s5  }
0x1d: {  	s5 =	ssub.s32 $0x0, s5;
	[sflag:s7] =	ssyncset.done $0x0  }
0x1e: {  	[sflag:s7] =	ssyncadd.s32 s5;
	_ =	sdelay $0x1  }
0x1f: {  	s24 =	simm.s32 $0x1B8B  }
0x20: {  	_ =	swait.ge [sflag:s24], $0x1  }
0x21: {  	[sflag:s24] =	ssyncset.done $0x0  }
0x22: {  	[sflag:s24] =	ssyncadd.s32 $0xFFFFFFFF  }
0x23: {  	s5 =	sld [smem:$0x0]  }
0x24: {  	s6 =	sand.u32 $0xFFFFFFFE, s1  }
0x25: {  	p0 =	sne.s32 s1, s6  }
0x26: {  	s6 =	sshll.u32 @p0 s6, $0xE  }
0x27: {  	s6 =	sadd.s32 @p0 $0x11B8D, s6;
	s7 =	sshll.u32 @p0 s5, $0x11  }
0x28: {  	s6 =	sor.u32 @p0 s7, s6  }
0x29: {  	[sflag:s6] =	ssyncadd.remote.s32 @p0 $0x1;
	_ =	sdelay $0x1  }
0x2a: {  	s6 =	simm.s32 @p0 $0x1B8D  }
0x2b: {  	_ =	swait.eq @p0 [sflag:s6], $0x1  }
0x2c: {  	[sflag:s6] =	ssyncadd.s32 @p0 $0xFFFFFFFF  }
0x2d: {  	s7 =	sshll.u32 @!p0 s1, $0xE  }
0x2e: {  	s7 =	sor.u32 @!p0 $0x4000, s7;
	s6 =	simm.s32 @!p0 $0x1B8D  }
0x2f: {  	s5 =	sshll.u32 @!p0 s5, $0x11;
	s7 =	sadd.s32 @!p0 $0x11B8D, s7;
	_ =	swait.eq @!p0 [sflag:s6], $0x1  }
0x30: {  	s5 =	sor.u32 @!p0 s5, s7;
	[sflag:s6] =	ssyncadd.s32 @!p0 $0xFFFFFFFF  }
0x31: {  	s26 =	simm.s32 $0x1B8E;
	s25 =	sld [smem:$0x3FFE];
	[sflag:s5] =	ssyncadd.remote.s32 @!p0 $0x1  }
0x32: {  	s27 =	simm.s32 $execute0_lowered;
	[smem:$0x3FD2] =	sst s26  }
0x33: {  	s6 =	sshll.u32 s27, $0x1;
	_ =	strace $0x8000004F;
	[dreg:$0x1] =	wrdreg $0xFFFFFFFF  }
0x34: {  	s28 =	simm.s32 $_size_execute0_lowered;
	s4 =	sadd.s32 s4, s6;
	[dreg:$0x0] =	wrdreg $0x0  }
0x35: {  	s6 =	sshll.u32 s28, $0x1;
	[dreg:$0x2] =	wrdreg s4  }
0x36: {  	[dreg:$0x3] =	wrdreg s6  }
0x37: {  	[dreg:$0x4] =	wrdreg $0xC0  }
0x38: {  	_ =	task [dreg:s23], $0x5FFFF  }
0x39: {  	[dreg:$0x1] =	wrdreg $0xFFFFFFFF  }
0x3a: {  	[dreg:$0x0] =	wrdreg $0x60  }
0x3b: {  	[dreg:$0x2] =	wrdreg s25  }
0x3c: {  	[dreg:$0x3] =	wrdreg s18  }
0x3d: {  	[dreg:$0x4] =	wrdreg $0x9  }
0x3e: {  	_ =	task.clear_ibuf [dreg:s23], $0x5FFFF;
	_ =	strace $0x9000004F  }
0x3f: {  	s29 =	simm.s32 $0x9;
	_ =	strace $0x80000051  }
0x40: {  	_ =	swait.ge [sflag:s29], $0x1  }
0x41: {  	[sflag:s29] =	ssyncadd.s32 $0xFFFFFFFF  }
0x42: {  	_ =	strace $0x90000051  }
0x43: {  	_ =	sfence  }
0x44: {  	s30 =	sld [smem:$0x0];
	_ =	sdelay $0x2  }
0x45: {  	s31 =	sshll.u32 s1, $0xD;
	s1 =	sshrl.u32 s1, $0x2  }
0x46: {  	s4 =	sand.u32 $0x4000, s31;
	s1 =	sadd.s32 s1, s30  }
0x47: {  	s0 =	sor.u32 s4, s0;
	s1 =	sshll.u32 s1, $0x11  }
0x48: {  	s0 =	sor.u32 s1, s0  }
0x49: {  	s0 =	sadd.s32 $0x8F2B, s0  }
0x4a: {  	[sflag:s0] =	ssyncadd.remote.s32 $0x1  }
0x4b: {  	_ =	sfence.sel $0xFFFF  }
0x4c: {  	[dreg:$0x0] =	wrdreg $0xFFFFFFFF;
	(pc) =	sbr.abs _section_cstart, $3  }
0x4d: {  	[dreg:$0x1] =	wrdreg $0xFFFFFFFF  }
0x4e: {  	_ =	task.clear_ibuf [dreg:s23], $0x2FFFF;
	_ =	strace $0x9FFFFFFF  }
0x4f: {  	(tm) =	ssettm $0x7FFFFFFF  }
tec
execute0_lowered:
.L_overlay_start_1:
0x0: {  	(tag) =	ssettag $0x1  }
0x1: {  	s0 =	srdreg.scid  }
0x2: {  	s1 =	sshll.u32 s0, $0x4  }
0x3: {  	s0 =	stileid.u32;
	s1 =	sand.u32 $0x10, s1  }
0x4: {  	s1 =	sor.u32 s0, s1  }
0x5: {  	s6 =	rddreg [dreg:$0x0];
	s4 =	simm.s32 $0x1;
	s2 =	sshll.u32 s1, $0x7  }
0x6: {  	s7 =	simm.s32 $0x2;
	s12 =	simm.s32 $0x0;
	s1 =	ssub.s32 $0x4000, s2  }
0x7: {  	s8 =	simm.s32 $0x20000;
	s13 =	simm.s32 $0x0;
	s3 =	sand.u32 $0xF80, s1  }
0x8: {  	s9 =	simm.s32 $0x0;
	s5 =	sshrl.u32 s1, $0xC;
	p0 =	sne.s32 s3, $0x0  }
.Ltmp0:
0x9: {  	s1 =	rddreg [dreg:$0x2];
	s4 =	simm.s32 @!p0 $0x0;
	(pc) =	sbr.rel .LBB1_1-.Ltmp0, $4  }
0xa: {  	s11 =	simm.s32 $0x0;
	s3 =	rddreg [dreg:$0x1];
	s5 =	sadd.s32 s4, s5  }
0xb: {  	_ =	strace $0x80000050;
	s4 =	simm.s32 $0x1;
	s5 =	smul.u32 $0xC8, s5  }
0xc: {  	s6 =	sadd.s32 $0x3201600, s6;
	s10 =	smov.u32 s2;
	[sflag:s4] =	ssyncpa.u1 $0x0  }
0xd: {  	p0 =	por $0x0, $0x0;
	[sflag:s7] =	ssyncpa.u1 $0x0;
	s7 =	sor.u32 $0x1, s5  }
.LBB1_4:
0xe: {  	s16 =	sshll.u32 s13, $0x3;
	s17 =	sand.u32 $0x78, s13  }
0xf: {  	s30 =	sand.u32 $0x7800, s13;
	s12 =	sshll.u32 s12, $0xF;
	s16 =	sand.u32 $0x3C00, s16  }
0x10: {  	s31 =	sand.u32 $0x7, s13;
	s16 =	sor.u32 s17, s16;
	s17 =	sadd.s32 s3, s30  }
0x11: {  	s13 =	sshll.u32 s31, $0x12;
	s16 =	sshrl.u32 s16, $0x3;
	s12 =	sadd.s32 s12, s17  }
0x12: {  	[tilespmem:s15+$0x0 ss:$0x81] =	vst.msk $0xffff, v1;
	s13 =	sor.u32 $0x400, s13;
	s12 =	sadd.s32 s16, s12  }
0x13: {  	[hbm4b:s12+s13] =	stream.strided.scatter [tilespmem:s14], [sflag:$0x2], $0x800, s8, s13, $0x20;
	[tilespmem:$0x2020] =	vst v63  }
.LBB1_5:
0x14: {  	s14 =	sadd.s32 $0x1, s9  }
0x15: {  	s12 =	sadd.s32 $0x1000, s10;
	s16 =	smov.u32 s10;
	p2 =	sgt.s32 s14, $0xC7  }
0x16: {  	s16 =	smov.u32 @p2 s12  }
0x17: {  	s14 =	simm.s32 @p2 $0x0;
	p2 =	sgt.s32 s16, $0x3FFF  }
0x18: {  	s16 =	smov.u32 @p2 s2;
	p2 =	sne.s32 s11, s7  }
.Ltmp1:
0x19: {  	p1 =	slt.u32 s11, $0x2;
	(pc) =	sbr.rel @!p2 .LBB1_6-.Ltmp1, $4  }
0x1a: {  	s15 =	simm.s32 @!p1 $0x2  }
0x1b: {  	s13 =	smov.u32 s10;
	p0 =	por !p0, !p0;
	_ =	swait.ge @!p1 [sflag:s15], $0x800  }
0x1c: {  	s12 =	smov.u32 s9;
	[sflag:s15] =	ssyncset.done @!p1 $0x0;
	s9 =	smov.u32 s14  }
0x1d: {  	s11 =	sadd.s32 $0x1, s11;
	[sflag:s15] =	ssyncadd.s32 @!p1 $0xFFFFF800;
	s10 =	smov.u32 s16  }
.LBB1_1:
0x1e: {  	p1 =	sge.u32 s11, s5  }
0x1f: {  	s14 =	sand.u32 @!p1 $0x1FFFFFF, s9  }
0x20: {  	s15 =	smulhi.u32 @!p1 $0x147AE15, s14;
	_ =	sdelay $0x1  }
0x21: {  	s15 =	smul.u32 @!p1 $0xC8, s15  }
0x22: {  	s16 =	sxor.u32 @!p1 $0xFFFFFFFF, s11;
	s17 =	smul.u32 @!p1 $0xC80, s10  }
0x23: {  	s31 =	sadd.s32 $0xFFFFFFFF, s11;
	s16 =	sshll.u32 @!p1 s16, $0xB;
	s14 =	ssub.s32 @!p1 s14, s15  }
0x24: {  	s15 =	sand.u32 @!p1 $0x800, s16;
	s16 =	sadd.s32 @!p1 s6, s17;
	s14 =	sshll.u32 @!p1 s14, $0x4  }
0x25: {  	s17 =	simm.s32 @!p1 $0x6400;
	s14 =	sadd.s32 @!p1 s14, s16;
	s16 =	simm.s32 @!p1 $0x10  }
0x26: {  	[tilespmem:s15], [sflag:$0x1] =	stream.strided.gather @!p1 [hbm4b:s14+s16], $0x800, s17, s16, $0x38;
	[tilespmem:$0x2020] =	vst v63  }
0x27: {  	p1 =	sge.u32 s31, s5  }
.Ltmp2:
0x28: {  	_ = 	snop;
	(pc) =	sbr.rel @p1 .LBB1_5-.Ltmp2, $1  }
0x29: {  	_ =	sdelay $0x3  }
0x2a: {  	s14 =	simm.s32 $0x1  }
0x2b: {  	s14 =	simm.s32 @!p0 $0x0  }
0x2c: {  	s15 =	sshll.u32 s14, $0xB  }
0x2d: {  	v0 =	vmov s15;
	_ =	sdelay $0x1  }
0x2e: {  	_ =	swait.ge [sflag:s4], $0x800  }
0x2f: {  	s31 =	sand.u32 $0x1, s11;
	[sflag:s4] =	ssyncset.done $0x0  }
0x30: {  	s17 =	simm.s32 $0x0;
	s14 =	smul.u32 $0x2040, s14;
	[sflag:s4] =	ssyncadd.s32 $0xFFFFF800  }
0x31: {  	s15 =	smul.u32 $0x2040, s31;
	v1 =	vld.idx.msk [tilespmem:v0+s17+$0x0 ss:$0x1], $0xffff;
	_ =	sdelay $0x1  }
0x32: {  	s14 =	sshrl.u32 s14, $0x2;
	s16 =	sshrl.u32 s15, $0x2  }
0x33: {  	s15 =	sor.u32 $0x1000, s14;
	s14 =	sor.u32 $0x1000, s16;
	s16 =	simm.s32 $0x40  }
.LBB1_3:
0x34: {  	s17 =	sshra.s32 s16, $0x2;
	p1 =	sne.s32 s16, $0x1FC0;
	s16 =	sadd.s32 $0x40, s16  }
.Ltmp3:
0x35: {  	[tilespmem:s15+$0x0 ss:$0x81] =	vst.msk $0xffff, v1;
	v1 =	vld.idx.msk [tilespmem:v0+s17+$0x0 ss:$0x1], $0xffff;
	(pc) =	sbr.rel @p1 .LBB1_3-.Ltmp3, $2  }
0x36: {  	_ =	sdelay $0x2  }
0x37: {  	s15 =	sadd.s32 $0x1, s15  }
.Ltmp4:
0x38: {  	_ = 	snop;
	(pc) =	sbr.rel .LBB1_4-.Ltmp4, $1  }
0x39: {  	_ =	sdelay $0x3  }
.LBB1_6:
0x3a: {  	_ =	sfence.sel $0x180000  }
0x3b: {  	s2 =	simm.s32 $0x1;
	[bflag:$0x0] =	sbarrier.arrive $0xFFFF  }
0x3c: {  	s31 =	simm.s32 $0x2;
	[sflag:s2] =	ssyncpa.u1 $0x1  }
0x3d: {  	[sflag:s31] =	ssyncpa.u1 $0x1  }
0x3e: {  	p0 =	sne.s32 s0, $0x0;
	_ =	strace $0x90000050  }
0x3f: {  	s0 =	sadd.s32 @!p0 $0x100000, s1;
	[bflag:$0x2] =	sbarrier.arrive $0xFFFF  }
0x40: {  	[sflag:s0] =	ssyncadd.tile.s32 @!p0 $0x1;
	_ =	shalt  }
.Lfunc_end1:
_tile_overlayer_lowered:
.L_overlay_start_2:
0x41: {  	(tag) =	ssettag $0x2  }
0x42: {  	s0 =	rddreg [dreg:$0x0];
	s2 =	stileid.u32  }
0x43: {  	s1 =	rddreg [dreg:$0x1];
	p0 =	sne.s32 s2, $0x0  }
0x44: {  	s3 =	rddreg [dreg:$0x2];
	[bflag:$0x3] =	sbarrier.arrive $0xFFFF;
	s2 =	simm.s32 @!p0 $0x1C01  }
0x45: {  	[timem:s3], [sflag:s2] =	dma.local @!p0 [hbm:s0], s1  }
0x46: {  	s0 =	simm.s32 @!p0 $0x1  }
0x47: {  	_ =	swait.ge @!p0 [sflag:s0], s1  }
0x48: {  	s1 =	ssub.s32 @!p0 $0x0, s1;
	[sflag:s0] =	ssyncset.done @!p0 $0x0  }
0x49: {  	[sflag:s0] =	ssyncadd.s32 @!p0 s1  }
0x4a: {  	[bflag:$0x3] =	sbarrier.arrive $0xFFFF  }
0x4b: {  	_ =	shalt  }

</sc_bundles>
